<compile_context>
chip_gen: v7x
topology: tpu7x:2x2x1
jax: 0.10.2.dev20260603
libtpu: 0.0.44.dev20260713+nightly
codegen_flags: <defaults>
</compile_context>

<pallas_src>
import functools

import jax
import jax.numpy as jnp
from jax import lax
from jax.experimental import pallas as pl
from jax.experimental.pallas import tpu as pltpu
from jax.experimental.pallas import tpu_sc as plsc

TEMP = 0.07
BASE_TEMP = 0.07
N_MEM = 50020
BSZ = 4096
DFEAT = 64
NCON = 2 * BSZ

BLK = 512
NBLK = BSZ // BLK
DUMMY = 1 << 20

NC, NS = 2, 16
NW = NC * NS
G_CHUNK = BSZ // NW
LANES = 16
SHARD = 3128
LAST_START = (NS - 1) * SHARD
LAST_N = N_MEM - LAST_START



def _dense_body(a_ref, ct_ref, b_ref, idxc_ref, ug_ref, f1_ref, vg_ref,
                f2_ref, ugall_ref, unew_ref, vnew_ref, rsum_ref, mpp_ref,
                idxs_ref, loss_ref, acc_ref):
    b = pl.program_id(0)
    a = a_ref[...] * (1.0 / TEMP)
    logits = jnp.dot(a, ct_ref[...], preferred_element_type=jnp.float32)
    m = jnp.max(logits, axis=1, keepdims=True)
    e = jnp.exp(logits - m)

    col = lax.broadcasted_iota(jnp.int32, (BLK, NCON), 1)
    rowg = b * BLK + lax.broadcasted_iota(jnp.int32, (BLK, NCON), 0)
    row_sum = jnp.sum(jnp.where(col == rowg, 0.0, e), axis=1, keepdims=True)
    pos_l = jnp.sum(a * b_ref[...], axis=1, keepdims=True)
    pos_e = jnp.exp(pos_l - m)

    gs = jnp.sum(ugall_ref[...])
    gamma = jnp.where(gs == 0.0, 1.0, 0.9)
    omg = 1.0 - gamma
    u_new = omg * (ug_ref[...] - f1_ref[...]) + row_sum
    mpp = pos_e / u_new
    v_new = omg * (vg_ref[...] - f2_ref[...]) + mpp

    idxb = idxc_ref[...]
    lane = lax.broadcasted_iota(jnp.int32, (BLK, 1), 0) % LANES
    loser = jnp.zeros((BLK, 1), jnp.bool_)
    for t in range(1, LANES):
        nb = jnp.concatenate(
            [idxb[t:], jnp.full((t, 1), -1, jnp.int32)], axis=0)
        loser = loser | ((idxb == nb) & (lane < LANES - t))
    idxs_ref[...] = jnp.where(loser, DUMMY, idxb)

    unew_ref[...] = u_new
    vnew_ref[...] = v_new
    rsum_ref[...] = row_sum
    mpp_ref[...] = mpp

    part = jnp.sum(jnp.log(v_new))
    prev = jnp.where(b == 0, 0.0, acc_ref[0])
    acc_ref[0] = prev + part

    @pl.when(b == NBLK - 1)
    def _():
        val = -(TEMP / BASE_TEMP) * acc_ref[0] / BSZ
        loss_ref[...] = jnp.reshape(val, (1, 1))


@functools.cache
def _make_dense(interpret=False):
    col = lambda b: (b, 0)
    full = lambda b: (0, 0)
    return pl.pallas_call(
        _dense_body,
        grid=(NBLK,),
        in_specs=[
            pl.BlockSpec((BLK, DFEAT), col),
            pl.BlockSpec((DFEAT, NCON), full),
            pl.BlockSpec((BLK, DFEAT), col),
            pl.BlockSpec((BLK, 1), col),
            pl.BlockSpec((BLK, 1), col),
            pl.BlockSpec((BLK, 1), col),
            pl.BlockSpec((BLK, 1), col),
            pl.BlockSpec((BLK, 1), col),
            pl.BlockSpec((1, BSZ), full),
        ],
        out_specs=[
            pl.BlockSpec((BLK, 1), col),
            pl.BlockSpec((BLK, 1), col),
            pl.BlockSpec((BLK, 1), col),
            pl.BlockSpec((BLK, 1), col),
            pl.BlockSpec((BLK, 1), col),
            pl.BlockSpec((1, 1), full),
        ],
        out_shape=[
            jax.ShapeDtypeStruct((BSZ, 1), jnp.float32),
            jax.ShapeDtypeStruct((BSZ, 1), jnp.float32),
            jax.ShapeDtypeStruct((BSZ, 1), jnp.float32),
            jax.ShapeDtypeStruct((BSZ, 1), jnp.float32),
            jax.ShapeDtypeStruct((BSZ, 1), jnp.int32),
            jax.ShapeDtypeStruct((1, 1), jnp.float32),
        ],
        scratch_shapes=[pltpu.SMEM((1,), jnp.float32)],
        interpret=interpret,
    )



@functools.cache
def _make_sc_gather():
    mesh = plsc.VectorSubcoreMesh(core_axis_name="c", subcore_axis_name="s",
                                  num_cores=NC, num_subcores=NS)

    @functools.partial(
        pl.kernel, mesh=mesh,
        out_type=[jax.ShapeDtypeStruct((BSZ,), jnp.float32)] * 4,
        scratch_types=[pltpu.VMEM((G_CHUNK,), jnp.int32)]
        + [pltpu.VMEM((G_CHUNK,), jnp.float32)] * 4
        + [pltpu.SemaphoreType.DMA],
    )
    def sc_gather(idx_hbm, u_hbm, f1_hbm, v_hbm, f2_hbm,
                  ug_out, f1g_out, vg_out, f2g_out,
                  idx_v, b0, b1, b2, b3, sem):
        wid = lax.axis_index("s") * NC + lax.axis_index("c")
        base = wid * G_CHUNK
        pltpu.sync_copy(idx_hbm.at[pl.ds(base, G_CHUNK)], idx_v)
        c0 = pltpu.async_copy(u_hbm.at[idx_v], b0, sem)
        c1 = pltpu.async_copy(f1_hbm.at[idx_v], b1, sem)
        c2 = pltpu.async_copy(v_hbm.at[idx_v], b2, sem)
        c3 = pltpu.async_copy(f2_hbm.at[idx_v], b3, sem)
        c0.wait(); c1.wait(); c2.wait(); c3.wait()
        pltpu.sync_copy(b0, ug_out.at[pl.ds(base, G_CHUNK)])
        pltpu.sync_copy(b1, f1g_out.at[pl.ds(base, G_CHUNK)])
        pltpu.sync_copy(b2, vg_out.at[pl.ds(base, G_CHUNK)])
        pltpu.sync_copy(b3, f2g_out.at[pl.ds(base, G_CHUNK)])

    return sc_gather


@functools.cache
def _make_sc_scatter():
    mesh = plsc.VectorSubcoreMesh(core_axis_name="c", subcore_axis_name="s",
                                  num_cores=NC, num_subcores=NS)

    @functools.partial(
        pl.kernel, mesh=mesh,
        out_type=[jax.ShapeDtypeStruct((N_MEM,), jnp.float32)] * 4,
        compiler_params=pltpu.CompilerParams(needs_layout_passes=False),
        scratch_types=[
            pltpu.VMEM((SHARD,), jnp.float32),
            pltpu.VMEM((SHARD,), jnp.float32),
            pltpu.VMEM((BSZ,), jnp.int32),
            pltpu.VMEM((BSZ,), jnp.float32),
            pltpu.VMEM((BSZ,), jnp.float32),
            pltpu.SemaphoreType.DMA,
        ],
    )
    def sc_scatter(u_hbm, f1_hbm, v_hbm, f2_hbm, idx_hbm,
                   unew_hbm, rsum_hbm, vnew_hbm, mpp_hbm,
                   u_out, f1_out, v_out, f2_out,
                   t0_v, t1_v, idx_v, val0_v, val1_v, sem):
        cid = lax.axis_index("c")
        sid = lax.axis_index("s")
        lo = sid * SHARD

        def stage(src0, src1):
            cs = [pltpu.async_copy(idx_hbm, idx_v, sem),
                  pltpu.async_copy(src0, val0_v, sem),
                  pltpu.async_copy(src1, val1_v, sem)]
            return cs

        def shards_in(b0, b1):
            @pl.when(sid < NS - 1)
            def _():
                pltpu.sync_copy(b0.at[pl.ds(sid * SHARD, SHARD)], t0_v)
                pltpu.sync_copy(b1.at[pl.ds(sid * SHARD, SHARD)], t1_v)

            @pl.when(sid == NS - 1)
            def _():
                pltpu.sync_copy(b0.at[pl.ds(LAST_START, LAST_N)],
                                t0_v.at[pl.ds(0, LAST_N)])
                pltpu.sync_copy(b1.at[pl.ds(LAST_START, LAST_N)],
                                t1_v.at[pl.ds(0, LAST_N)])

        def shards_out(o0, o1):
            @pl.when(sid < NS - 1)
            def _():
                pltpu.sync_copy(t0_v, o0.at[pl.ds(sid * SHARD, SHARD)])
                pltpu.sync_copy(t1_v, o1.at[pl.ds(sid * SHARD, SHARD)])

            @pl.when(sid == NS - 1)
            def _():
                pltpu.sync_copy(t0_v.at[pl.ds(0, LAST_N)],
                                o0.at[pl.ds(LAST_START, LAST_N)])
                pltpu.sync_copy(t1_v.at[pl.ds(0, LAST_N)],
                                o1.at[pl.ds(LAST_START, LAST_N)])

        def apply_updates():
            def body(k, _):
                iv = idx_v[pl.ds(k * LANES, LANES)]
                msk = (iv >= lo) & (iv < lo + SHARD)
                li = jnp.where(msk, iv - lo, 0)
                plsc.store_scatter(t0_v, [li],
                                   val0_v[pl.ds(k * LANES, LANES)], mask=msk)
                plsc.store_scatter(t1_v, [li],
                                   val1_v[pl.ds(k * LANES, LANES)], mask=msk)
                return 0
            lax.fori_loop(0, BSZ // LANES, body, 0)

        @pl.when(cid == 0)
        def _():
            cs = stage(unew_hbm, rsum_hbm)
            shards_in(u_hbm, f1_hbm)
            for c in cs:
                c.wait()
            apply_updates()
            shards_out(u_out, f1_out)

        @pl.when(cid == 1)
        def _():
            cs = stage(vnew_hbm, mpp_hbm)
            shards_in(v_hbm, f2_hbm)
            for c in cs:
                c.wait()
            apply_updates()
            shards_out(v_out, f2_out)

    return sc_scatter



def kernel(features, index, u, v, f1_w, f2_w):
    anchor = features[:, 0, :]
    ct = jnp.concatenate([anchor, features[:, 1, :]], axis=0).T
    idx = index.astype(jnp.int32)
    u_flat = u.reshape(N_MEM)
    f1_flat = f1_w.reshape(N_MEM)

    ug, f1g, vg, f2g = _make_sc_gather()(idx, u_flat, f1_flat, v, f2_w)

    unew, vnew, rsum, mpp, idxs, loss = _make_dense()(
        anchor, ct, features[:, 1, :],
        idx.reshape(BSZ, 1),
        ug.reshape(BSZ, 1), f1g.reshape(BSZ, 1),
        vg.reshape(BSZ, 1), f2g.reshape(BSZ, 1),
        ug.reshape(1, BSZ),
    )

    u_out, f1_out, v_out, f2_out = _make_sc_scatter()(
        u_flat, f1_flat, v, f2_w, idxs.reshape(BSZ),
        unew.reshape(BSZ), rsum.reshape(BSZ),
        vnew.reshape(BSZ), mpp.reshape(BSZ),
    )

    return (loss[0, 0],
            u_out.reshape(N_MEM, 1),
            v_out,
            f1_out.reshape(N_MEM, 1),
            f2_out)

# --- scband reference (transcript-rebuilt; emitter-appended) ---
"""Pipeline reference for scband-sup-con-loss-6365141532777 (READ-ONLY COPY).

The authoritative reference and input builder live on the scoring server;
editing this copy changes nothing except your own understanding.
"""

import jax, jax.numpy as jnp
import numpy as np

TEMPERATURE = 0.07
BASE_TEMPERATURE = 0.07
N_MEM = 50020
BSZ = 4096
NVIEWS = 2
DFEAT = 64


def setup_inputs(seed: int = 0):
    key = jax.random.key(seed)
    k1, k2 = jax.random.split(key)
    features = jax.random.normal(k1, (BSZ, NVIEWS, DFEAT), dtype=jnp.float32)
    index = jax.random.randint(k2, (BSZ,), 0, N_MEM)
    u = jnp.zeros((N_MEM, 1), dtype=jnp.float32)
    v = jnp.zeros((N_MEM,), dtype=jnp.float32)
    f1_w = jnp.zeros((N_MEM, 1), dtype=jnp.float32)
    f2_w = jnp.zeros((N_MEM,), dtype=jnp.float32)
    return {"features": features, "index": index, "u": u, "v": v, "f1_w": f1_w, "f2_w": f2_w}


def reference(features, index, u, v, f1_w, f2_w):
    bsz = features.shape[0]
    contrast_count = features.shape[1]
    contrast_feature = jnp.concatenate([features[:, i] for i in range(contrast_count)], axis=0)
    anchor_feature = features[:, 0]
    anchor_count = 1
    anchor_dot_contrast = jnp.matmul(anchor_feature, contrast_feature.T) / TEMPERATURE
    logits_max = jax.lax.stop_gradient(jnp.max(anchor_dot_contrast, axis=1, keepdims=True))
    logits = anchor_dot_contrast - logits_max
    # labels=None, mask=None -> SimCLR eye mask
    mask = jnp.eye(bsz, dtype=jnp.float32)
    mask = jnp.tile(mask, (anchor_count, contrast_count))
    rows = jnp.arange(bsz * anchor_count)
    logits_mask = jnp.ones((bsz * anchor_count, bsz * contrast_count), dtype=jnp.float32).at[rows, rows].set(0.0)
    mask = mask * logits_mask
    exp_logits = jnp.exp(logits) * logits_mask
    # gamma=1 if gathered u entries sum to zero (first-epoch behavior), else 0.9
    u_gather = jnp.take(u, index, axis=0)
    gamma = jnp.where(jnp.sum(u_gather) == 0.0, 1.0, 0.9)
    row_sum = jnp.sum(exp_logits, axis=1, keepdims=True)
    u_new = (1.0 - gamma) * (u_gather - jnp.take(f1_w, index, axis=0)) + row_sum
    f1_w_upd = f1_w.at[index].set(jax.lax.stop_gradient(row_sum))
    u_upd = u.at[index].set(jax.lax.stop_gradient(u_new))
    prob = jnp.exp(logits) / u_new
    mask_pos_pairs = jnp.sum(mask, axis=1)
    mask_pos_pairs = jnp.where(mask_pos_pairs < 1e-6, 1.0, mask_pos_pairs)
    mean_prob_pos = jnp.sum(mask * prob, axis=1) / mask_pos_pairs
    v_new = (1.0 - gamma) * (jnp.take(v, index, axis=0) - jnp.take(f2_w, index, axis=0)) + mean_prob_pos
    f2_w_upd = f2_w.at[index].set(jax.lax.stop_gradient(mean_prob_pos))
    v_upd = v.at[index].set(jax.lax.stop_gradient(v_new))
    loss = -(TEMPERATURE / BASE_TEMPERATURE) * jnp.log(v_new)
    loss = jnp.mean(loss.reshape(anchor_count, bsz))
    # return loss plus updated memory buffers (torch mutates these in-place as side effects)
    return loss, u_upd, v_upd, f1_w_upd, f2_w_upd

if __name__ == "__main__":
    import jax
    _d = setup_inputs()
    print(jax.jit(kernel)(*tuple(_d.values())))

</pallas_src>

<mosaic_0001>
#map = affine_map<(d0, d1) -> (0)>
module attributes {stable_mosaic.version = 14 : i64} {
  func.func @sc_gather(%arg0: i32, %arg1: i32, %arg2: memref<4096xi32, #tpu.memory_space<hbm>>, %arg3: memref<50020xf32, #tpu.memory_space<hbm>>, %arg4: memref<50020xf32, #tpu.memory_space<hbm>>, %arg5: memref<50020xf32, #tpu.memory_space<hbm>>, %arg6: memref<50020xf32, #tpu.memory_space<hbm>>, %arg7: memref<4096xf32, #tpu.memory_space<hbm>>, %arg8: memref<4096xf32, #tpu.memory_space<hbm>>, %arg9: memref<4096xf32, #tpu.memory_space<hbm>>, %arg10: memref<4096xf32, #tpu.memory_space<hbm>>, %arg11: memref<128xi32, #tpu.memory_space<vmem>>, %arg12: memref<128xf32, #tpu.memory_space<vmem>>, %arg13: memref<128xf32, #tpu.memory_space<vmem>>, %arg14: memref<128xf32, #tpu.memory_space<vmem>>, %arg15: memref<128xf32, #tpu.memory_space<vmem>>, %arg16: memref<!tpu.dma_semaphore, #tpu.memory_space<semaphore_mem>>) attributes {dimension_semantics = [#tpu.dimension_semantics<core_parallel>, #tpu.dimension_semantics<subcore_parallel>], iteration_bounds = array<i64: 2, 16>, scalar_prefetch = 0 : i64, scratch_operands = 6 : i64, tpu.core_type = #tpu.core_type<sc_vector_subcore>, window_params = [{transform_indices = #map}, {transform_indices = #map}, {transform_indices = #map}, {transform_indices = #map}, {transform_indices = #map}, {transform_indices = #map}, {transform_indices = #map}, {transform_indices = #map}, {transform_indices = #map}]} {
    %mul3A = arith.constant 2 : i32
    %mul3A_0 = arith.muli %arg1, %mul3A : i32
    %add3A = arith.addi %mul3A_0, %arg0 : i32
    %mul3A_1 = arith.constant 128 : i32
    %mul3A_2 = arith.muli %add3A, %mul3A_1 : i32
    "tpu.region"() ({
      %run_scoped3A = tpu.sem_alloc : memref<!tpu.dma_semaphore, #tpu.memory_space<semaphore_mem>>
      %dma_start3A_17 = tpu.memref_slice %arg2[%mul3A_2] : memref<4096xi32, #tpu.memory_space<hbm>> -> memref<128xi32, #tpu.memory_space<hbm>>
      %dma_start3A_18 = tpu.memref_slice %arg2[%mul3A_2] : memref<4096xi32, #tpu.memory_space<hbm>> -> memref<128xi32, #tpu.memory_space<hbm>>
      tpu.enqueue_dma source(%dma_start3A_18 : memref<128xi32, #tpu.memory_space<hbm>>) target(%arg11 : memref<128xi32, #tpu.memory_space<vmem>>) target_semaphore(%run_scoped3A : memref<!tpu.dma_semaphore, #tpu.memory_space<semaphore_mem>>)
      %dma_wait3A_19 = tpu.memref_slice %arg2[%mul3A_2] : memref<4096xi32, #tpu.memory_space<hbm>> -> memref<128xi32, #tpu.memory_space<hbm>>
      %dma_wait3A_20 = tpu.memref_slice %arg2[%mul3A_2] : memref<4096xi32, #tpu.memory_space<hbm>> -> memref<128xi32, #tpu.memory_space<hbm>>
      tpu.wait_dma2 semaphore(%run_scoped3A : memref<!tpu.dma_semaphore, #tpu.memory_space<semaphore_mem>>) src(%dma_wait3A_20 : memref<128xi32, #tpu.memory_space<hbm>>) dst(%arg11 : memref<128xi32, #tpu.memory_space<vmem>>)
      tpu.yield
    }) : () -> ()
    %dma_start3A = arith.constant 0 : i32
    %dma_start3A_3 = tpu.memref_slice %arg3[%dma_start3A] : memref<50020xf32, #tpu.memory_space<hbm>> -> memref<50020xf32, #tpu.memory_space<hbm>>
    tpu.enqueue_indirect_dma source(%dma_start3A_3 : memref<50020xf32, #tpu.memory_space<hbm>>) target(%arg12 : memref<128xf32, #tpu.memory_space<vmem>>) offsets(%arg11 : memref<128xi32, #tpu.memory_space<vmem>>) semaphore(%arg16 : memref<!tpu.dma_semaphore, #tpu.memory_space<semaphore_mem>>)
    %dma_start3A_4 = arith.constant 0 : i32
    %dma_start3A_5 = tpu.memref_slice %arg4[%dma_start3A_4] : memref<50020xf32, #tpu.memory_space<hbm>> -> memref<50020xf32, #tpu.memory_space<hbm>>
    tpu.enqueue_indirect_dma source(%dma_start3A_5 : memref<50020xf32, #tpu.memory_space<hbm>>) target(%arg13 : memref<128xf32, #tpu.memory_space<vmem>>) offsets(%arg11 : memref<128xi32, #tpu.memory_space<vmem>>) semaphore(%arg16 : memref<!tpu.dma_semaphore, #tpu.memory_space<semaphore_mem>>)
    %dma_start3A_6 = arith.constant 0 : i32
    %dma_start3A_7 = tpu.memref_slice %arg5[%dma_start3A_6] : memref<50020xf32, #tpu.memory_space<hbm>> -> memref<50020xf32, #tpu.memory_space<hbm>>
    tpu.enqueue_indirect_dma source(%dma_start3A_7 : memref<50020xf32, #tpu.memory_space<hbm>>) target(%arg14 : memref<128xf32, #tpu.memory_space<vmem>>) offsets(%arg11 : memref<128xi32, #tpu.memory_space<vmem>>) semaphore(%arg16 : memref<!tpu.dma_semaphore, #tpu.memory_space<semaphore_mem>>)
    %dma_start3A_8 = arith.constant 0 : i32
    %dma_start3A_9 = tpu.memref_slice %arg6[%dma_start3A_8] : memref<50020xf32, #tpu.memory_space<hbm>> -> memref<50020xf32, #tpu.memory_space<hbm>>
    tpu.enqueue_indirect_dma source(%dma_start3A_9 : memref<50020xf32, #tpu.memory_space<hbm>>) target(%arg15 : memref<128xf32, #tpu.memory_space<vmem>>) offsets(%arg11 : memref<128xi32, #tpu.memory_space<vmem>>) semaphore(%arg16 : memref<!tpu.dma_semaphore, #tpu.memory_space<semaphore_mem>>)
    %dma_wait3A = arith.constant 0 : i32
    %dma_wait3A_10 = tpu.memref_slice %arg3[%dma_wait3A] : memref<50020xf32, #tpu.memory_space<hbm>> -> memref<50020xf32, #tpu.memory_space<hbm>>
    tpu.wait_indirect_dma semaphore(%arg16 : memref<!tpu.dma_semaphore, #tpu.memory_space<semaphore_mem>>) src(%dma_wait3A_10 : memref<50020xf32, #tpu.memory_space<hbm>>) dst(%arg12 : memref<128xf32, #tpu.memory_space<vmem>>)
    %dma_wait3A_11 = arith.constant 0 : i32
    %dma_wait3A_12 = tpu.memref_slice %arg4[%dma_wait3A_11] : memref<50020xf32, #tpu.memory_space<hbm>> -> memref<50020xf32, #tpu.memory_space<hbm>>
    tpu.wait_indirect_dma semaphore(%arg16 : memref<!tpu.dma_semaphore, #tpu.memory_space<semaphore_mem>>) src(%dma_wait3A_12 : memref<50020xf32, #tpu.memory_space<hbm>>) dst(%arg13 : memref<128xf32, #tpu.memory_space<vmem>>)
    %dma_wait3A_13 = arith.constant 0 : i32
    %dma_wait3A_14 = tpu.memref_slice %arg5[%dma_wait3A_13] : memref<50020xf32, #tpu.memory_space<hbm>> -> memref<50020xf32, #tpu.memory_space<hbm>>
    tpu.wait_indirect_dma semaphore(%arg16 : memref<!tpu.dma_semaphore, #tpu.memory_space<semaphore_mem>>) src(%dma_wait3A_14 : memref<50020xf32, #tpu.memory_space<hbm>>) dst(%arg14 : memref<128xf32, #tpu.memory_space<vmem>>)
    %dma_wait3A_15 = arith.constant 0 : i32
    %dma_wait3A_16 = tpu.memref_slice %arg6[%dma_wait3A_15] : memref<50020xf32, #tpu.memory_space<hbm>> -> memref<50020xf32, #tpu.memory_space<hbm>>
    tpu.wait_indirect_dma semaphore(%arg16 : memref<!tpu.dma_semaphore, #tpu.memory_space<semaphore_mem>>) src(%dma_wait3A_16 : memref<50020xf32, #tpu.memory_space<hbm>>) dst(%arg15 : memref<128xf32, #tpu.memory_space<vmem>>)
    "tpu.region"() ({
      %run_scoped3A = tpu.sem_alloc : memref<!tpu.dma_semaphore, #tpu.memory_space<semaphore_mem>>
      %dma_start3A_17 = tpu.memref_slice %arg7[%mul3A_2] : memref<4096xf32, #tpu.memory_space<hbm>> -> memref<128xf32, #tpu.memory_space<hbm>>
      %dma_start3A_18 = tpu.memref_slice %arg7[%mul3A_2] : memref<4096xf32, #tpu.memory_space<hbm>> -> memref<128xf32, #tpu.memory_space<hbm>>
      tpu.enqueue_dma source(%arg12 : memref<128xf32, #tpu.memory_space<vmem>>) target(%dma_start3A_18 : memref<128xf32, #tpu.memory_space<hbm>>) target_semaphore(%run_scoped3A : memref<!tpu.dma_semaphore, #tpu.memory_space<semaphore_mem>>)
      %dma_wait3A_19 = tpu.memref_slice %arg7[%mul3A_2] : memref<4096xf32, #tpu.memory_space<hbm>> -> memref<128xf32, #tpu.memory_space<hbm>>
      %dma_wait3A_20 = tpu.memref_slice %arg7[%mul3A_2] : memref<4096xf32, #tpu.memory_space<hbm>> -> memref<128xf32, #tpu.memory_space<hbm>>
      tpu.wait_dma2 semaphore(%run_scoped3A : memref<!tpu.dma_semaphore, #tpu.memory_space<semaphore_mem>>) src(%arg12 : memref<128xf32, #tpu.memory_space<vmem>>) dst(%dma_wait3A_20 : memref<128xf32, #tpu.memory_space<hbm>>)
      tpu.yield
    }) : () -> ()
    "tpu.region"() ({
      %run_scoped3A = tpu.sem_alloc : memref<!tpu.dma_semaphore, #tpu.memory_space<semaphore_mem>>
      %dma_start3A_17 = tpu.memref_slice %arg8[%mul3A_2] : memref<4096xf32, #tpu.memory_space<hbm>> -> memref<128xf32, #tpu.memory_space<hbm>>
      %dma_start3A_18 = tpu.memref_slice %arg8[%mul3A_2] : memref<4096xf32, #tpu.memory_space<hbm>> -> memref<128xf32, #tpu.memory_space<hbm>>
      tpu.enqueue_dma source(%arg13 : memref<128xf32, #tpu.memory_space<vmem>>) target(%dma_start3A_18 : memref<128xf32, #tpu.memory_space<hbm>>) target_semaphore(%run_scoped3A : memref<!tpu.dma_semaphore, #tpu.memory_space<semaphore_mem>>)
      %dma_wait3A_19 = tpu.memref_slice %arg8[%mul3A_2] : memref<4096xf32, #tpu.memory_space<hbm>> -> memref<128xf32, #tpu.memory_space<hbm>>
      %dma_wait3A_20 = tpu.memref_slice %arg8[%mul3A_2] : memref<4096xf32, #tpu.memory_space<hbm>> -> memref<128xf32, #tpu.memory_space<hbm>>
      tpu.wait_dma2 semaphore(%run_scoped3A : memref<!tpu.dma_semaphore, #tpu.memory_space<semaphore_mem>>) src(%arg13 : memref<128xf32, #tpu.memory_space<vmem>>) dst(%dma_wait3A_20 : memref<128xf32, #tpu.memory_space<hbm>>)
      tpu.yield
    }) : () -> ()
    "tpu.region"() ({
      %run_scoped3A = tpu.sem_alloc : memref<!tpu.dma_semaphore, #tpu.memory_space<semaphore_mem>>
      %dma_start3A_17 = tpu.memref_slice %arg9[%mul3A_2] : memref<4096xf32, #tpu.memory_space<hbm>> -> memref<128xf32, #tpu.memory_space<hbm>>
      %dma_start3A_18 = tpu.memref_slice %arg9[%mul3A_2] : memref<4096xf32, #tpu.memory_space<hbm>> -> memref<128xf32, #tpu.memory_space<hbm>>
      tpu.enqueue_dma source(%arg14 : memref<128xf32, #tpu.memory_space<vmem>>) target(%dma_start3A_18 : memref<128xf32, #tpu.memory_space<hbm>>) target_semaphore(%run_scoped3A : memref<!tpu.dma_semaphore, #tpu.memory_space<semaphore_mem>>)
      %dma_wait3A_19 = tpu.memref_slice %arg9[%mul3A_2] : memref<4096xf32, #tpu.memory_space<hbm>> -> memref<128xf32, #tpu.memory_space<hbm>>
      %dma_wait3A_20 = tpu.memref_slice %arg9[%mul3A_2] : memref<4096xf32, #tpu.memory_space<hbm>> -> memref<128xf32, #tpu.memory_space<hbm>>
      tpu.wait_dma2 semaphore(%run_scoped3A : memref<!tpu.dma_semaphore, #tpu.memory_space<semaphore_mem>>) src(%arg14 : memref<128xf32, #tpu.memory_space<vmem>>) dst(%dma_wait3A_20 : memref<128xf32, #tpu.memory_space<hbm>>)
      tpu.yield
    }) : () -> ()
    "tpu.region"() ({
      %run_scoped3A = tpu.sem_alloc : memref<!tpu.dma_semaphore, #tpu.memory_space<semaphore_mem>>
      %dma_start3A_17 = tpu.memref_slice %arg10[%mul3A_2] : memref<4096xf32, #tpu.memory_space<hbm>> -> memref<128xf32, #tpu.memory_space<hbm>>
      %dma_start3A_18 = tpu.memref_slice %arg10[%mul3A_2] : memref<4096xf32, #tpu.memory_space<hbm>> -> memref<128xf32, #tpu.memory_space<hbm>>
      tpu.enqueue_dma source(%arg15 : memref<128xf32, #tpu.memory_space<vmem>>) target(%dma_start3A_18 : memref<128xf32, #tpu.memory_space<hbm>>) target_semaphore(%run_scoped3A : memref<!tpu.dma_semaphore, #tpu.memory_space<semaphore_mem>>)
      %dma_wait3A_19 = tpu.memref_slice %arg10[%mul3A_2] : memref<4096xf32, #tpu.memory_space<hbm>> -> memref<128xf32, #tpu.memory_space<hbm>>
      %dma_wait3A_20 = tpu.memref_slice %arg10[%mul3A_2] : memref<4096xf32, #tpu.memory_space<hbm>> -> memref<128xf32, #tpu.memory_space<hbm>>
      tpu.wait_dma2 semaphore(%run_scoped3A : memref<!tpu.dma_semaphore, #tpu.memory_space<semaphore_mem>>) src(%arg15 : memref<128xf32, #tpu.memory_space<vmem>>) dst(%dma_wait3A_20 : memref<128xf32, #tpu.memory_space<hbm>>)
      tpu.yield
    }) : () -> ()
    return
  }
}

#map = affine_map<(d0, d1) -> (0)>
module attributes {stable_mosaic.version = 14 : i64} {
  func.func @sc_scatter(%arg0: i32, %arg1: i32, %arg2: memref<50020xf32, #tpu.memory_space<hbm>>, %arg3: memref<50020xf32, #tpu.memory_space<hbm>>, %arg4: memref<50020xf32, #tpu.memory_space<hbm>>, %arg5: memref<50020xf32, #tpu.memory_space<hbm>>, %arg6: memref<4096xi32, #tpu.memory_space<hbm>>, %arg7: memref<4096xf32, #tpu.memory_space<hbm>>, %arg8: memref<4096xf32, #tpu.memory_space<hbm>>, %arg9: memref<4096xf32, #tpu.memory_space<hbm>>, %arg10: memref<4096xf32, #tpu.memory_space<hbm>>, %arg11: memref<50020xf32, #tpu.memory_space<hbm>>, %arg12: memref<50020xf32, #tpu.memory_space<hbm>>, %arg13: memref<50020xf32, #tpu.memory_space<hbm>>, %arg14: memref<50020xf32, #tpu.memory_space<hbm>>, %arg15: memref<3128xf32, #tpu.memory_space<vmem>>, %arg16: memref<3128xf32, #tpu.memory_space<vmem>>, %arg17: memref<4096xi32, #tpu.memory_space<vmem>>, %arg18: memref<4096xf32, #tpu.memory_space<vmem>>, %arg19: memref<4096xf32, #tpu.memory_space<vmem>>, %arg20: memref<!tpu.dma_semaphore, #tpu.memory_space<semaphore_mem>>) attributes {dimension_semantics = [#tpu.dimension_semantics<core_parallel>, #tpu.dimension_semantics<subcore_parallel>], iteration_bounds = array<i64: 2, 16>, scalar_prefetch = 0 : i64, scratch_operands = 6 : i64, tpu.core_type = #tpu.core_type<sc_vector_subcore>, window_params = [{transform_indices = #map}, {transform_indices = #map}, {transform_indices = #map}, {transform_indices = #map}, {transform_indices = #map}, {transform_indices = #map}, {transform_indices = #map}, {transform_indices = #map}, {transform_indices = #map}, {transform_indices = #map}, {transform_indices = #map}, {transform_indices = #map}, {transform_indices = #map}]} {
    %mul3A = arith.constant 3128 : i32
    %mul3A_0 = arith.muli %arg1, %mul3A : i32
    %eq3A = arith.constant 0 : i32
    %eq3A_1 = arith.cmpi eq, %arg0, %eq3A : i32
    %convert_element_type3A = arith.extui %eq3A_1 : i1 to i32
    %cond3A = arith.constant 0 : i32
    %cond3A_2 = arith.cmpi ne, %convert_element_type3A, %cond3A : i32
    scf.if %cond3A_2 {
      tpu.enqueue_dma source(%arg6 : memref<4096xi32, #tpu.memory_space<hbm>>) target(%arg17 : memref<4096xi32, #tpu.memory_space<vmem>>) target_semaphore(%arg20 : memref<!tpu.dma_semaphore, #tpu.memory_space<semaphore_mem>>)
      tpu.enqueue_dma source(%arg7 : memref<4096xf32, #tpu.memory_space<hbm>>) target(%arg18 : memref<4096xf32, #tpu.memory_space<vmem>>) target_semaphore(%arg20 : memref<!tpu.dma_semaphore, #tpu.memory_space<semaphore_mem>>)
      tpu.enqueue_dma source(%arg8 : memref<4096xf32, #tpu.memory_space<hbm>>) target(%arg19 : memref<4096xf32, #tpu.memory_space<vmem>>) target_semaphore(%arg20 : memref<!tpu.dma_semaphore, #tpu.memory_space<semaphore_mem>>)
      %lt3A = arith.constant 15 : i32
      %lt3A_8 = arith.cmpi slt, %arg1, %lt3A : i32
      %convert_element_type3A_9 = arith.extui %lt3A_8 : i1 to i32
      %cond3A_10 = arith.constant 0 : i32
      %cond3A_11 = arith.cmpi ne, %convert_element_type3A_9, %cond3A_10 : i32
      scf.if %cond3A_11 {
        %mul3A_33 = arith.constant 3128 : i32
        %mul3A_34 = arith.muli %arg1, %mul3A_33 : i32
        "tpu.region"() ({
          %run_scoped3A = tpu.sem_alloc : memref<!tpu.dma_semaphore, #tpu.memory_space<semaphore_mem>>
          %dma_start3A = tpu.memref_slice %arg2[%mul3A_34] : memref<50020xf32, #tpu.memory_space<hbm>> -> memref<3128xf32, #tpu.memory_space<hbm>>
          %dma_start3A_37 = tpu.memref_slice %arg2[%mul3A_34] : memref<50020xf32, #tpu.memory_space<hbm>> -> memref<3128xf32, #tpu.memory_space<hbm>>
          tpu.enqueue_dma source(%dma_start3A_37 : memref<3128xf32, #tpu.memory_space<hbm>>) target(%arg15 : memref<3128xf32, #tpu.memory_space<vmem>>) target_semaphore(%run_scoped3A : memref<!tpu.dma_semaphore, #tpu.memory_space<semaphore_mem>>)
          %dma_wait3A = tpu.memref_slice %arg2[%mul3A_34] : memref<50020xf32, #tpu.memory_space<hbm>> -> memref<3128xf32, #tpu.memory_space<hbm>>
          %dma_wait3A_38 = tpu.memref_slice %arg2[%mul3A_34] : memref<50020xf32, #tpu.memory_space<hbm>> -> memref<3128xf32, #tpu.memory_space<hbm>>
          tpu.wait_dma2 semaphore(%run_scoped3A : memref<!tpu.dma_semaphore, #tpu.memory_space<semaphore_mem>>) src(%dma_wait3A_38 : memref<3128xf32, #tpu.memory_space<hbm>>) dst(%arg15 : memref<3128xf32, #tpu.memory_space<vmem>>)
          tpu.yield
        }) : () -> ()
        %mul3A_35 = arith.constant 3128 : i32
        %mul3A_36 = arith.muli %arg1, %mul3A_35 : i32
        "tpu.region"() ({
          %run_scoped3A = tpu.sem_alloc : memref<!tpu.dma_semaphore, #tpu.memory_space<semaphore_mem>>
          %dma_start3A = tpu.memref_slice %arg3[%mul3A_36] : memref<50020xf32, #tpu.memory_space<hbm>> -> memref<3128xf32, #tpu.memory_space<hbm>>
          %dma_start3A_37 = tpu.memref_slice %arg3[%mul3A_36] : memref<50020xf32, #tpu.memory_space<hbm>> -> memref<3128xf32, #tpu.memory_space<hbm>>
          tpu.enqueue_dma source(%dma_start3A_37 : memref<3128xf32, #tpu.memory_space<hbm>>) target(%arg16 : memref<3128xf32, #tpu.memory_space<vmem>>) target_semaphore(%run_scoped3A : memref<!tpu.dma_semaphore, #tpu.memory_space<semaphore_mem>>)
          %dma_wait3A = tpu.memref_slice %arg3[%mul3A_36] : memref<50020xf32, #tpu.memory_space<hbm>> -> memref<3128xf32, #tpu.memory_space<hbm>>
          %dma_wait3A_38 = tpu.memref_slice %arg3[%mul3A_36] : memref<50020xf32, #tpu.memory_space<hbm>> -> memref<3128xf32, #tpu.memory_space<hbm>>
          tpu.wait_dma2 semaphore(%run_scoped3A : memref<!tpu.dma_semaphore, #tpu.memory_space<semaphore_mem>>) src(%dma_wait3A_38 : memref<3128xf32, #tpu.memory_space<hbm>>) dst(%arg16 : memref<3128xf32, #tpu.memory_space<vmem>>)
          tpu.yield
        }) : () -> ()
      } else {
      }
      %eq3A_12 = arith.constant 15 : i32
      %eq3A_13 = arith.cmpi eq, %arg1, %eq3A_12 : i32
      %convert_element_type3A_14 = arith.extui %eq3A_13 : i1 to i32
      %cond3A_15 = arith.constant 0 : i32
      %cond3A_16 = arith.cmpi ne, %convert_element_type3A_14, %cond3A_15 : i32
      scf.if %cond3A_16 {
        "tpu.region"() ({
          %run_scoped3A = tpu.sem_alloc : memref<!tpu.dma_semaphore, #tpu.memory_space<semaphore_mem>>
          %dma_start3A = arith.constant 0 : i32
          %dma_start3A_33 = tpu.memref_slice %arg15[%dma_start3A] : memref<3128xf32, #tpu.memory_space<vmem>> -> memref<3100xf32, #tpu.memory_space<vmem>>
          %dma_start3A_34 = arith.constant 46920 : i32
          %dma_start3A_35 = tpu.memref_slice %arg2[%dma_start3A_34] : memref<50020xf32, #tpu.memory_space<hbm>> -> memref<3100xf32, #tpu.memory_space<hbm>>
          %dma_start3A_36 = arith.constant 0 : i32
          %dma_start3A_37 = tpu.memref_slice %arg15[%dma_start3A_36] : memref<3128xf32, #tpu.memory_space<vmem>> -> memref<3100xf32, #tpu.memory_space<vmem>>
          %dma_start3A_38 = arith.constant 46920 : i32
          %dma_start3A_39 = tpu.memref_slice %arg2[%dma_start3A_38] : memref<50020xf32, #tpu.memory_space<hbm>> -> memref<3100xf32, #tpu.memory_space<hbm>>
          tpu.enqueue_dma source(%dma_start3A_39 : memref<3100xf32, #tpu.memory_space<hbm>>) target(%dma_start3A_37 : memref<3100xf32, #tpu.memory_space<vmem>>) target_semaphore(%run_scoped3A : memref<!tpu.dma_semaphore, #tpu.memory_space<semaphore_mem>>)
          %dma_wait3A = arith.constant 0 : i32
          %dma_wait3A_40 = tpu.memref_slice %arg15[%dma_wait3A] : memref<3128xf32, #tpu.memory_space<vmem>> -> memref<3100xf32, #tpu.memory_space<vmem>>
          %dma_wait3A_41 = arith.constant 46920 : i32
          %dma_wait3A_42 = tpu.memref_slice %arg2[%dma_wait3A_41] : memref<50020xf32, #tpu.memory_space<hbm>> -> memref<3100xf32, #tpu.memory_space<hbm>>
          %dma_wait3A_43 = arith.constant 0 : i32
          %dma_wait3A_44 = tpu.memref_slice %arg15[%dma_wait3A_43] : memref<3128xf32, #tpu.memory_space<vmem>> -> memref<3100xf32, #tpu.memory_space<vmem>>
          %dma_wait3A_45 = arith.constant 46920 : i32
          %dma_wait3A_46 = tpu.memref_slice %arg2[%dma_wait3A_45] : memref<50020xf32, #tpu.memory_space<hbm>> -> memref<3100xf32, #tpu.memory_space<hbm>>
          tpu.wait_dma2 semaphore(%run_scoped3A : memref<!tpu.dma_semaphore, #tpu.memory_space<semaphore_mem>>) src(%dma_wait3A_46 : memref<3100xf32, #tpu.memory_space<hbm>>) dst(%dma_wait3A_44 : memref<3100xf32, #tpu.memory_space<vmem>>)
          tpu.yield
        }) : () -> ()
        "tpu.region"() ({
          %run_scoped3A = tpu.sem_alloc : memref<!tpu.dma_semaphore, #tpu.memory_space<semaphore_mem>>
          %dma_start3A = arith.constant 0 : i32
          %dma_start3A_33 = tpu.memref_slice %arg16[%dma_start3A] : memref<3128xf32, #tpu.memory_space<vmem>> -> memref<3100xf32, #tpu.memory_space<vmem>>
          %dma_start3A_34 = arith.constant 46920 : i32
          %dma_start3A_35 = tpu.memref_slice %arg3[%dma_start3A_34] : memref<50020xf32, #tpu.memory_space<hbm>> -> memref<3100xf32, #tpu.memory_space<hbm>>
          %dma_start3A_36 = arith.constant 0 : i32
          %dma_start3A_37 = tpu.memref_slice %arg16[%dma_start3A_36] : memref<3128xf32, #tpu.memory_space<vmem>> -> memref<3100xf32, #tpu.memory_space<vmem>>
          %dma_start3A_38 = arith.constant 46920 : i32
          %dma_start3A_39 = tpu.memref_slice %arg3[%dma_start3A_38] : memref<50020xf32, #tpu.memory_space<hbm>> -> memref<3100xf32, #tpu.memory_space<hbm>>
          tpu.enqueue_dma source(%dma_start3A_39 : memref<3100xf32, #tpu.memory_space<hbm>>) target(%dma_start3A_37 : memref<3100xf32, #tpu.memory_space<vmem>>) target_semaphore(%run_scoped3A : memref<!tpu.dma_semaphore, #tpu.memory_space<semaphore_mem>>)
          %dma_wait3A = arith.constant 0 : i32
          %dma_wait3A_40 = tpu.memref_slice %arg16[%dma_wait3A] : memref<3128xf32, #tpu.memory_space<vmem>> -> memref<3100xf32, #tpu.memory_space<vmem>>
          %dma_wait3A_41 = arith.constant 46920 : i32
          %dma_wait3A_42 = tpu.memref_slice %arg3[%dma_wait3A_41] : memref<50020xf32, #tpu.memory_space<hbm>> -> memref<3100xf32, #tpu.memory_space<hbm>>
          %dma_wait3A_43 = arith.constant 0 : i32
          %dma_wait3A_44 = tpu.memref_slice %arg16[%dma_wait3A_43] : memref<3128xf32, #tpu.memory_space<vmem>> -> memref<3100xf32, #tpu.memory_space<vmem>>
          %dma_wait3A_45 = arith.constant 46920 : i32
          %dma_wait3A_46 = tpu.memref_slice %arg3[%dma_wait3A_45] : memref<50020xf32, #tpu.memory_space<hbm>> -> memref<3100xf32, #tpu.memory_space<hbm>>
          tpu.wait_dma2 semaphore(%run_scoped3A : memref<!tpu.dma_semaphore, #tpu.memory_space<semaphore_mem>>) src(%dma_wait3A_46 : memref<3100xf32, #tpu.memory_space<hbm>>) dst(%dma_wait3A_44 : memref<3100xf32, #tpu.memory_space<vmem>>)
          tpu.yield
        }) : () -> ()
      } else {
      }
      tpu.wait_dma2 semaphore(%arg20 : memref<!tpu.dma_semaphore, #tpu.memory_space<semaphore_mem>>) src(%arg6 : memref<4096xi32, #tpu.memory_space<hbm>>) dst(%arg17 : memref<4096xi32, #tpu.memory_space<vmem>>)
      tpu.wait_dma2 semaphore(%arg20 : memref<!tpu.dma_semaphore, #tpu.memory_space<semaphore_mem>>) src(%arg7 : memref<4096xf32, #tpu.memory_space<hbm>>) dst(%arg18 : memref<4096xf32, #tpu.memory_space<vmem>>)
      tpu.wait_dma2 semaphore(%arg20 : memref<!tpu.dma_semaphore, #tpu.memory_space<semaphore_mem>>) src(%arg8 : memref<4096xf32, #tpu.memory_space<hbm>>) dst(%arg19 : memref<4096xf32, #tpu.memory_space<vmem>>)
      %scan3A = arith.constant 0 : i32
      %scan3A_17 = arith.constant 0 : i32
      %scan3A_18 = arith.constant 256 : i32
      %scan3A_19 = arith.addi %scan3A_17, %scan3A_18 : i32
      %scan3A_20 = arith.constant 1 : i32
      %scan3A_21 = scf.for %scan3A_33 = %scan3A_17 to %scan3A_19 step %scan3A_20 iter_args(%scan3A_34 = %scan3A) -> (i32)  : i32 {
        %mul3A_35 = arith.constant 16 : i32
        %mul3A_36 = arith.muli %scan3A_33, %mul3A_35 : i32
        %get3A = arith.index_cast %mul3A_36 : i32 to index
        %get3A_37 = tpu.vector_load %arg17[%get3A] {strides = array<i32>} : memref<4096xi32, #tpu.memory_space<vmem>>, vector<16xi32>,
        %ge3A = vector.broadcast %mul3A_0 : i32 to vector<16xi32>
        %ge3A_38 = arith.cmpi sge, %get3A_37, %ge3A : vector<16xi32>
        %add3A = arith.constant 3128 : i32
        %add3A_39 = arith.addi %mul3A_0, %add3A : i32
        %lt3A_40 = vector.broadcast %add3A_39 : i32 to vector<16xi32>
        %lt3A_41 = arith.cmpi slt, %get3A_37, %lt3A_40 : vector<16xi32>
        %and3A = arith.andi %ge3A_38, %lt3A_41 : vector<16xi1>
        %sub3A = vector.broadcast %mul3A_0 : i32 to vector<16xi32>
        %sub3A_42 = arith.subi %get3A_37, %sub3A : vector<16xi32>
        %jit3A = arith.constant 0 : i32
        %broadcast_in_dim3A = vector.broadcast %jit3A : i32 to vector<16xi32>
        %select_n3A = arith.select %and3A, %sub3A_42, %broadcast_in_dim3A : vector<16xi1>, vector<16xi32>
        %mul3A_43 = arith.constant 16 : i32
        %mul3A_44 = arith.muli %scan3A_33, %mul3A_43 : i32
        %get3A_45 = arith.index_cast %mul3A_44 : i32 to index
        %get3A_46 = tpu.vector_load %arg18[%get3A_45] {strides = array<i32>} : memref<4096xf32, #tpu.memory_space<vmem>>, vector<16xf32>,
        tpu.vector_store_idx %arg15[%select_n3A], %get3A_46 masked %and3A : memref<3128xf32, #tpu.memory_space<vmem>>[vector<16xi32>], vector<16xf32>, vector<16xi1>
        %mul3A_47 = arith.constant 16 : i32
        %mul3A_48 = arith.muli %scan3A_33, %mul3A_47 : i32
        %get3A_49 = arith.index_cast %mul3A_48 : i32 to index
        %get3A_50 = tpu.vector_load %arg19[%get3A_49] {strides = array<i32>} : memref<4096xf32, #tpu.memory_space<vmem>>, vector<16xf32>,
        tpu.vector_store_idx %arg16[%select_n3A], %get3A_50 masked %and3A : memref<3128xf32, #tpu.memory_space<vmem>>[vector<16xi32>], vector<16xf32>, vector<16xi1>
        %scan3A_51 = arith.constant 0 : i32
        scf.yield %scan3A_51 : i32
      }
      %scan3A_22 = arith.constant 256 : i32
      %lt3A_23 = arith.constant 15 : i32
      %lt3A_24 = arith.cmpi slt, %arg1, %lt3A_23 : i32
      %convert_element_type3A_25 = arith.extui %lt3A_24 : i1 to i32
      %cond3A_26 = arith.constant 0 : i32
      %cond3A_27 = arith.cmpi ne, %convert_element_type3A_25, %cond3A_26 : i32
      scf.if %cond3A_27 {
        %mul3A_33 = arith.constant 3128 : i32
        %mul3A_34 = arith.muli %arg1, %mul3A_33 : i32
        "tpu.region"() ({
          %run_scoped3A = tpu.sem_alloc : memref<!tpu.dma_semaphore, #tpu.memory_space<semaphore_mem>>
          %dma_start3A = tpu.memref_slice %arg11[%mul3A_34] : memref<50020xf32, #tpu.memory_space<hbm>> -> memref<3128xf32, #tpu.memory_space<hbm>>
          %dma_start3A_37 = tpu.memref_slice %arg11[%mul3A_34] : memref<50020xf32, #tpu.memory_space<hbm>> -> memref<3128xf32, #tpu.memory_space<hbm>>
          tpu.enqueue_dma source(%arg15 : memref<3128xf32, #tpu.memory_space<vmem>>) target(%dma_start3A_37 : memref<3128xf32, #tpu.memory_space<hbm>>) target_semaphore(%run_scoped3A : memref<!tpu.dma_semaphore, #tpu.memory_space<semaphore_mem>>)
          %dma_wait3A = tpu.memref_slice %arg11[%mul3A_34] : memref<50020xf32, #tpu.memory_space<hbm>> -> memref<3128xf32, #tpu.memory_space<hbm>>
          %dma_wait3A_38 = tpu.memref_slice %arg11[%mul3A_34] : memref<50020xf32, #tpu.memory_space<hbm>> -> memref<3128xf32, #tpu.memory_space<hbm>>
          tpu.wait_dma2 semaphore(%run_scoped3A : memref<!tpu.dma_semaphore, #tpu.memory_space<semaphore_mem>>) src(%arg15 : memref<3128xf32, #tpu.memory_space<vmem>>) dst(%dma_wait3A_38 : memref<3128xf32, #tpu.memory_space<hbm>>)
          tpu.yield
        }) : () -> ()
        %mul3A_35 = arith.constant 3128 : i32
        %mul3A_36 = arith.muli %arg1, %mul3A_35 : i32
        "tpu.region"() ({
          %run_scoped3A = tpu.sem_alloc : memref<!tpu.dma_semaphore, #tpu.memory_space<semaphore_mem>>
          %dma_start3A = tpu.memref_slice %arg12[%mul3A_36] : memref<50020xf32, #tpu.memory_space<hbm>> -> memref<3128xf32, #tpu.memory_space<hbm>>
          %dma_start3A_37 = tpu.memref_slice %arg12[%mul3A_36] : memref<50020xf32, #tpu.memory_space<hbm>> -> memref<3128xf32, #tpu.memory_space<hbm>>
          tpu.enqueue_dma source(%arg16 : memref<3128xf32, #tpu.memory_space<vmem>>) target(%dma_start3A_37 : memref<3128xf32, #tpu.memory_space<hbm>>) target_semaphore(%run_scoped3A : memref<!tpu.dma_semaphore, #tpu.memory_space<semaphore_mem>>)
          %dma_wait3A = tpu.memref_slice %arg12[%mul3A_36] : memref<50020xf32, #tpu.memory_space<hbm>> -> memref<3128xf32, #tpu.memory_space<hbm>>
          %dma_wait3A_38 = tpu.memref_slice %arg12[%mul3A_36] : memref<50020xf32, #tpu.memory_space<hbm>> -> memref<3128xf32, #tpu.memory_space<hbm>>
          tpu.wait_dma2 semaphore(%run_scoped3A : memref<!tpu.dma_semaphore, #tpu.memory_space<semaphore_mem>>) src(%arg16 : memref<3128xf32, #tpu.memory_space<vmem>>) dst(%dma_wait3A_38 : memref<3128xf32, #tpu.memory_space<hbm>>)
          tpu.yield
        }) : () -> ()
      } else {
      }
      %eq3A_28 = arith.constant 15 : i32
      %eq3A_29 = arith.cmpi eq, %arg1, %eq3A_28 : i32
      %convert_element_type3A_30 = arith.extui %eq3A_29 : i1 to i32
      %cond3A_31 = arith.constant 0 : i32
      %cond3A_32 = arith.cmpi ne, %convert_element_type3A_30, %cond3A_31 : i32
      scf.if %cond3A_32 {
        "tpu.region"() ({
          %run_scoped3A = tpu.sem_alloc : memref<!tpu.dma_semaphore, #tpu.memory_space<semaphore_mem>>
          %dma_start3A = arith.constant 0 : i32
          %dma_start3A_33 = tpu.memref_slice %arg15[%dma_start3A] : memref<3128xf32, #tpu.memory_space<vmem>> -> memref<3100xf32, #tpu.memory_space<vmem>>
          %dma_start3A_34 = arith.constant 46920 : i32
          %dma_start3A_35 = tpu.memref_slice %arg11[%dma_start3A_34] : memref<50020xf32, #tpu.memory_space<hbm>> -> memref<3100xf32, #tpu.memory_space<hbm>>
          %dma_start3A_36 = arith.constant 46920 : i32
          %dma_start3A_37 = tpu.memref_slice %arg11[%dma_start3A_36] : memref<50020xf32, #tpu.memory_space<hbm>> -> memref<3100xf32, #tpu.memory_space<hbm>>
          %dma_start3A_38 = arith.constant 0 : i32
          %dma_start3A_39 = tpu.memref_slice %arg15[%dma_start3A_38] : memref<3128xf32, #tpu.memory_space<vmem>> -> memref<3100xf32, #tpu.memory_space<vmem>>
          tpu.enqueue_dma source(%dma_start3A_39 : memref<3100xf32, #tpu.memory_space<vmem>>) target(%dma_start3A_37 : memref<3100xf32, #tpu.memory_space<hbm>>) target_semaphore(%run_scoped3A : memref<!tpu.dma_semaphore, #tpu.memory_space<semaphore_mem>>)
          %dma_wait3A = arith.constant 0 : i32
          %dma_wait3A_40 = tpu.memref_slice %arg15[%dma_wait3A] : memref<3128xf32, #tpu.memory_space<vmem>> -> memref<3100xf32, #tpu.memory_space<vmem>>
          %dma_wait3A_41 = arith.constant 46920 : i32
          %dma_wait3A_42 = tpu.memref_slice %arg11[%dma_wait3A_41] : memref<50020xf32, #tpu.memory_space<hbm>> -> memref<3100xf32, #tpu.memory_space<hbm>>
          %dma_wait3A_43 = arith.constant 46920 : i32
          %dma_wait3A_44 = tpu.memref_slice %arg11[%dma_wait3A_43] : memref<50020xf32, #tpu.memory_space<hbm>> -> memref<3100xf32, #tpu.memory_space<hbm>>
          %dma_wait3A_45 = arith.constant 0 : i32
          %dma_wait3A_46 = tpu.memref_slice %arg15[%dma_wait3A_45] : memref<3128xf32, #tpu.memory_space<vmem>> -> memref<3100xf32, #tpu.memory_space<vmem>>
          tpu.wait_dma2 semaphore(%run_scoped3A : memref<!tpu.dma_semaphore, #tpu.memory_space<semaphore_mem>>) src(%dma_wait3A_46 : memref<3100xf32, #tpu.memory_space<vmem>>) dst(%dma_wait3A_44 : memref<3100xf32, #tpu.memory_space<hbm>>)
          tpu.yield
        }) : () -> ()
        "tpu.region"() ({
          %run_scoped3A = tpu.sem_alloc : memref<!tpu.dma_semaphore, #tpu.memory_space<semaphore_mem>>
          %dma_start3A = arith.constant 0 : i32
          %dma_start3A_33 = tpu.memref_slice %arg16[%dma_start3A] : memref<3128xf32, #tpu.memory_space<vmem>> -> memref<3100xf32, #tpu.memory_space<vmem>>
          %dma_start3A_34 = arith.constant 46920 : i32
          %dma_start3A_35 = tpu.memref_slice %arg12[%dma_start3A_34] : memref<50020xf32, #tpu.memory_space<hbm>> -> memref<3100xf32, #tpu.memory_space<hbm>>
          %dma_start3A_36 = arith.constant 46920 : i32
          %dma_start3A_37 = tpu.memref_slice %arg12[%dma_start3A_36] : memref<50020xf32, #tpu.memory_space<hbm>> -> memref<3100xf32, #tpu.memory_space<hbm>>
          %dma_start3A_38 = arith.constant 0 : i32
          %dma_start3A_39 = tpu.memref_slice %arg16[%dma_start3A_38] : memref<3128xf32, #tpu.memory_space<vmem>> -> memref<3100xf32, #tpu.memory_space<vmem>>
          tpu.enqueue_dma source(%dma_start3A_39 : memref<3100xf32, #tpu.memory_space<vmem>>) target(%dma_start3A_37 : memref<3100xf32, #tpu.memory_space<hbm>>) target_semaphore(%run_scoped3A : memref<!tpu.dma_semaphore, #tpu.memory_space<semaphore_mem>>)
          %dma_wait3A = arith.constant 0 : i32
          %dma_wait3A_40 = tpu.memref_slice %arg16[%dma_wait3A] : memref<3128xf32, #tpu.memory_space<vmem>> -> memref<3100xf32, #tpu.memory_space<vmem>>
          %dma_wait3A_41 = arith.constant 46920 : i32
          %dma_wait3A_42 = tpu.memref_slice %arg12[%dma_wait3A_41] : memref<50020xf32, #tpu.memory_space<hbm>> -> memref<3100xf32, #tpu.memory_space<hbm>>
          %dma_wait3A_43 = arith.constant 46920 : i32
          %dma_wait3A_44 = tpu.memref_slice %arg12[%dma_wait3A_43] : memref<50020xf32, #tpu.memory_space<hbm>> -> memref<3100xf32, #tpu.memory_space<hbm>>
          %dma_wait3A_45 = arith.constant 0 : i32
          %dma_wait3A_46 = tpu.memref_slice %arg16[%dma_wait3A_45] : memref<3128xf32, #tpu.memory_space<vmem>> -> memref<3100xf32, #tpu.memory_space<vmem>>
          tpu.wait_dma2 semaphore(%run_scoped3A : memref<!tpu.dma_semaphore, #tpu.memory_space<semaphore_mem>>) src(%dma_wait3A_46 : memref<3100xf32, #tpu.memory_space<vmem>>) dst(%dma_wait3A_44 : memref<3100xf32, #tpu.memory_space<hbm>>)
          tpu.yield
        }) : () -> ()
      } else {
      }
    } else {
    }
    %eq3A_3 = arith.constant 1 : i32
    %eq3A_4 = arith.cmpi eq, %arg0, %eq3A_3 : i32
    %convert_element_type3A_5 = arith.extui %eq3A_4 : i1 to i32
    %cond3A_6 = arith.constant 0 : i32
    %cond3A_7 = arith.cmpi ne, %convert_element_type3A_5, %cond3A_6 : i32
    scf.if %cond3A_7 {
      tpu.enqueue_dma source(%arg6 : memref<4096xi32, #tpu.memory_space<hbm>>) target(%arg17 : memref<4096xi32, #tpu.memory_space<vmem>>) target_semaphore(%arg20 : memref<!tpu.dma_semaphore, #tpu.memory_space<semaphore_mem>>)
      tpu.enqueue_dma source(%arg9 : memref<4096xf32, #tpu.memory_space<hbm>>) target(%arg18 : memref<4096xf32, #tpu.memory_space<vmem>>) target_semaphore(%arg20 : memref<!tpu.dma_semaphore, #tpu.memory_space<semaphore_mem>>)
      tpu.enqueue_dma source(%arg10 : memref<4096xf32, #tpu.memory_space<hbm>>) target(%arg19 : memref<4096xf32, #tpu.memory_space<vmem>>) target_semaphore(%arg20 : memref<!tpu.dma_semaphore, #tpu.memory_space<semaphore_mem>>)
      %lt3A = arith.constant 15 : i32
      %lt3A_8 = arith.cmpi slt, %arg1, %lt3A : i32
      %convert_element_type3A_9 = arith.extui %lt3A_8 : i1 to i32
      %cond3A_10 = arith.constant 0 : i32
      %cond3A_11 = arith.cmpi ne, %convert_element_type3A_9, %cond3A_10 : i32
      scf.if %cond3A_11 {
        %mul3A_33 = arith.constant 3128 : i32
        %mul3A_34 = arith.muli %arg1, %mul3A_33 : i32
        "tpu.region"() ({
          %run_scoped3A = tpu.sem_alloc : memref<!tpu.dma_semaphore, #tpu.memory_space<semaphore_mem>>
          %dma_start3A = tpu.memref_slice %arg4[%mul3A_34] : memref<50020xf32, #tpu.memory_space<hbm>> -> memref<3128xf32, #tpu.memory_space<hbm>>
          %dma_start3A_37 = tpu.memref_slice %arg4[%mul3A_34] : memref<50020xf32, #tpu.memory_space<hbm>> -> memref<3128xf32, #tpu.memory_space<hbm>>
          tpu.enqueue_dma source(%dma_start3A_37 : memref<3128xf32, #tpu.memory_space<hbm>>) target(%arg15 : memref<3128xf32, #tpu.memory_space<vmem>>) target_semaphore(%run_scoped3A : memref<!tpu.dma_semaphore, #tpu.memory_space<semaphore_mem>>)
          %dma_wait3A = tpu.memref_slice %arg4[%mul3A_34] : memref<50020xf32, #tpu.memory_space<hbm>> -> memref<3128xf32, #tpu.memory_space<hbm>>
          %dma_wait3A_38 = tpu.memref_slice %arg4[%mul3A_34] : memref<50020xf32, #tpu.memory_space<hbm>> -> memref<3128xf32, #tpu.memory_space<hbm>>
          tpu.wait_dma2 semaphore(%run_scoped3A : memref<!tpu.dma_semaphore, #tpu.memory_space<semaphore_mem>>) src(%dma_wait3A_38 : memref<3128xf32, #tpu.memory_space<hbm>>) dst(%arg15 : memref<3128xf32, #tpu.memory_space<vmem>>)
          tpu.yield
        }) : () -> ()
        %mul3A_35 = arith.constant 3128 : i32
        %mul3A_36 = arith.muli %arg1, %mul3A_35 : i32
        "tpu.region"() ({
          %run_scoped3A = tpu.sem_alloc : memref<!tpu.dma_semaphore, #tpu.memory_space<semaphore_mem>>
          %dma_start3A = tpu.memref_slice %arg5[%mul3A_36] : memref<50020xf32, #tpu.memory_space<hbm>> -> memref<3128xf32, #tpu.memory_space<hbm>>
          %dma_start3A_37 = tpu.memref_slice %arg5[%mul3A_36] : memref<50020xf32, #tpu.memory_space<hbm>> -> memref<3128xf32, #tpu.memory_space<hbm>>
          tpu.enqueue_dma source(%dma_start3A_37 : memref<3128xf32, #tpu.memory_space<hbm>>) target(%arg16 : memref<3128xf32, #tpu.memory_space<vmem>>) target_semaphore(%run_scoped3A : memref<!tpu.dma_semaphore, #tpu.memory_space<semaphore_mem>>)
          %dma_wait3A = tpu.memref_slice %arg5[%mul3A_36] : memref<50020xf32, #tpu.memory_space<hbm>> -> memref<3128xf32, #tpu.memory_space<hbm>>
          %dma_wait3A_38 = tpu.memref_slice %arg5[%mul3A_36] : memref<50020xf32, #tpu.memory_space<hbm>> -> memref<3128xf32, #tpu.memory_space<hbm>>
          tpu.wait_dma2 semaphore(%run_scoped3A : memref<!tpu.dma_semaphore, #tpu.memory_space<semaphore_mem>>) src(%dma_wait3A_38 : memref<3128xf32, #tpu.memory_space<hbm>>) dst(%arg16 : memref<3128xf32, #tpu.memory_space<vmem>>)
          tpu.yield
        }) : () -> ()
      } else {
      }
      %eq3A_12 = arith.constant 15 : i32
      %eq3A_13 = arith.cmpi eq, %arg1, %eq3A_12 : i32
      %convert_element_type3A_14 = arith.extui %eq3A_13 : i1 to i32
      %cond3A_15 = arith.constant 0 : i32
      %cond3A_16 = arith.cmpi ne, %convert_element_type3A_14, %cond3A_15 : i32
      scf.if %cond3A_16 {
        "tpu.region"() ({
          %run_scoped3A = tpu.sem_alloc : memref<!tpu.dma_semaphore, #tpu.memory_space<semaphore_mem>>
          %dma_start3A = arith.constant 0 : i32
          %dma_start3A_33 = tpu.memref_slice %arg15[%dma_start3A] : memref<3128xf32, #tpu.memory_space<vmem>> -> memref<3100xf32, #tpu.memory_space<vmem>>
          %dma_start3A_34 = arith.constant 46920 : i32
          %dma_start3A_35 = tpu.memref_slice %arg4[%dma_start3A_34] : memref<50020xf32, #tpu.memory_space<hbm>> -> memref<3100xf32, #tpu.memory_space<hbm>>
          %dma_start3A_36 = arith.constant 0 : i32
          %dma_start3A_37 = tpu.memref_slice %arg15[%dma_start3A_36] : memref<3128xf32, #tpu.memory_space<vmem>> -> memref<3100xf32, #tpu.memory_space<vmem>>
          %dma_start3A_38 = arith.constant 46920 : i32
          %dma_start3A_39 = tpu.memref_slice %arg4[%dma_start3A_38] : memref<50020xf32, #tpu.memory_space<hbm>> -> memref<3100xf32, #tpu.memory_space<hbm>>
          tpu.enqueue_dma source(%dma_start3A_39 : memref<3100xf32, #tpu.memory_space<hbm>>) target(%dma_start3A_37 : memref<3100xf32, #tpu.memory_space<vmem>>) target_semaphore(%run_scoped3A : memref<!tpu.dma_semaphore, #tpu.memory_space<semaphore_mem>>)
          %dma_wait3A = arith.constant 0 : i32
          %dma_wait3A_40 = tpu.memref_slice %arg15[%dma_wait3A] : memref<3128xf32, #tpu.memory_space<vmem>> -> memref<3100xf32, #tpu.memory_space<vmem>>
          %dma_wait3A_41 = arith.constant 46920 : i32
          %dma_wait3A_42 = tpu.memref_slice %arg4[%dma_wait3A_41] : memref<50020xf32, #tpu.memory_space<hbm>> -> memref<3100xf32, #tpu.memory_space<hbm>>
          %dma_wait3A_43 = arith.constant 0 : i32
          %dma_wait3A_44 = tpu.memref_slice %arg15[%dma_wait3A_43] : memref<3128xf32, #tpu.memory_space<vmem>> -> memref<3100xf32, #tpu.memory_space<vmem>>
          %dma_wait3A_45 = arith.constant 46920 : i32
          %dma_wait3A_46 = tpu.memref_slice %arg4[%dma_wait3A_45] : memref<50020xf32, #tpu.memory_space<hbm>> -> memref<3100xf32, #tpu.memory_space<hbm>>
          tpu.wait_dma2 semaphore(%run_scoped3A : memref<!tpu.dma_semaphore, #tpu.memory_space<semaphore_mem>>) src(%dma_wait3A_46 : memref<3100xf32, #tpu.memory_space<hbm>>) dst(%dma_wait3A_44 : memref<3100xf32, #tpu.memory_space<vmem>>)
          tpu.yield
        }) : () -> ()
        "tpu.region"() ({
          %run_scoped3A = tpu.sem_alloc : memref<!tpu.dma_semaphore, #tpu.memory_space<semaphore_mem>>
          %dma_start3A = arith.constant 0 : i32
          %dma_start3A_33 = tpu.memref_slice %arg16[%dma_start3A] : memref<3128xf32, #tpu.memory_space<vmem>> -> memref<3100xf32, #tpu.memory_space<vmem>>
          %dma_start3A_34 = arith.constant 46920 : i32
          %dma_start3A_35 = tpu.memref_slice %arg5[%dma_start3A_34] : memref<50020xf32, #tpu.memory_space<hbm>> -> memref<3100xf32, #tpu.memory_space<hbm>>
          %dma_start3A_36 = arith.constant 0 : i32
          %dma_start3A_37 = tpu.memref_slice %arg16[%dma_start3A_36] : memref<3128xf32, #tpu.memory_space<vmem>> -> memref<3100xf32, #tpu.memory_space<vmem>>
          %dma_start3A_38 = arith.constant 46920 : i32
          %dma_start3A_39 = tpu.memref_slice %arg5[%dma_start3A_38] : memref<50020xf32, #tpu.memory_space<hbm>> -> memref<3100xf32, #tpu.memory_space<hbm>>
          tpu.enqueue_dma source(%dma_start3A_39 : memref<3100xf32, #tpu.memory_space<hbm>>) target(%dma_start3A_37 : memref<3100xf32, #tpu.memory_space<vmem>>) target_semaphore(%run_scoped3A : memref<!tpu.dma_semaphore, #tpu.memory_space<semaphore_mem>>)
          %dma_wait3A = arith.constant 0 : i32
          %dma_wait3A_40 = tpu.memref_slice %arg16[%dma_wait3A] : memref<3128xf32, #tpu.memory_space<vmem>> -> memref<3100xf32, #tpu.memory_space<vmem>>
          %dma_wait3A_41 = arith.constant 46920 : i32
          %dma_wait3A_42 = tpu.memref_slice %arg5[%dma_wait3A_41] : memref<50020xf32, #tpu.memory_space<hbm>> -> memref<3100xf32, #tpu.memory_space<hbm>>
          %dma_wait3A_43 = arith.constant 0 : i32
          %dma_wait3A_44 = tpu.memref_slice %arg16[%dma_wait3A_43] : memref<3128xf32, #tpu.memory_space<vmem>> -> memref<3100xf32, #tpu.memory_space<vmem>>
          %dma_wait3A_45 = arith.constant 46920 : i32
          %dma_wait3A_46 = tpu.memref_slice %arg5[%dma_wait3A_45] : memref<50020xf32, #tpu.memory_space<hbm>> -> memref<3100xf32, #tpu.memory_space<hbm>>
          tpu.wait_dma2 semaphore(%run_scoped3A : memref<!tpu.dma_semaphore, #tpu.memory_space<semaphore_mem>>) src(%dma_wait3A_46 : memref<3100xf32, #tpu.memory_space<hbm>>) dst(%dma_wait3A_44 : memref<3100xf32, #tpu.memory_space<vmem>>)
          tpu.yield
        }) : () -> ()
      } else {
      }
      tpu.wait_dma2 semaphore(%arg20 : memref<!tpu.dma_semaphore, #tpu.memory_space<semaphore_mem>>) src(%arg6 : memref<4096xi32, #tpu.memory_space<hbm>>) dst(%arg17 : memref<4096xi32, #tpu.memory_space<vmem>>)
      tpu.wait_dma2 semaphore(%arg20 : memref<!tpu.dma_semaphore, #tpu.memory_space<semaphore_mem>>) src(%arg9 : memref<4096xf32, #tpu.memory_space<hbm>>) dst(%arg18 : memref<4096xf32, #tpu.memory_space<vmem>>)
      tpu.wait_dma2 semaphore(%arg20 : memref<!tpu.dma_semaphore, #tpu.memory_space<semaphore_mem>>) src(%arg10 : memref<4096xf32, #tpu.memory_space<hbm>>) dst(%arg19 : memref<4096xf32, #tpu.memory_space<vmem>>)
      %scan3A = arith.constant 0 : i32
      %scan3A_17 = arith.constant 0 : i32
      %scan3A_18 = arith.constant 256 : i32
      %scan3A_19 = arith.addi %scan3A_17, %scan3A_18 : i32
      %scan3A_20 = arith.constant 1 : i32
      %scan3A_21 = scf.for %scan3A_33 = %scan3A_17 to %scan3A_19 step %scan3A_20 iter_args(%scan3A_34 = %scan3A) -> (i32)  : i32 {
        %mul3A_35 = arith.constant 16 : i32
        %mul3A_36 = arith.muli %scan3A_33, %mul3A_35 : i32
        %get3A = arith.index_cast %mul3A_36 : i32 to index
        %get3A_37 = tpu.vector_load %arg17[%get3A] {strides = array<i32>} : memref<4096xi32, #tpu.memory_space<vmem>>, vector<16xi32>,
        %ge3A = vector.broadcast %mul3A_0 : i32 to vector<16xi32>
        %ge3A_38 = arith.cmpi sge, %get3A_37, %ge3A : vector<16xi32>
        %add3A = arith.constant 3128 : i32
        %add3A_39 = arith.addi %mul3A_0, %add3A : i32
        %lt3A_40 = vector.broadcast %add3A_39 : i32 to vector<16xi32>
        %lt3A_41 = arith.cmpi slt, %get3A_37, %lt3A_40 : vector<16xi32>
        %and3A = arith.andi %ge3A_38, %lt3A_41 : vector<16xi1>
        %sub3A = vector.broadcast %mul3A_0 : i32 to vector<16xi32>
        %sub3A_42 = arith.subi %get3A_37, %sub3A : vector<16xi32>
        %jit3A = arith.constant 0 : i32
        %broadcast_in_dim3A = vector.broadcast %jit3A : i32 to vector<16xi32>
        %select_n3A = arith.select %and3A, %sub3A_42, %broadcast_in_dim3A : vector<16xi1>, vector<16xi32>
        %mul3A_43 = arith.constant 16 : i32
        %mul3A_44 = arith.muli %scan3A_33, %mul3A_43 : i32
        %get3A_45 = arith.index_cast %mul3A_44 : i32 to index
        %get3A_46 = tpu.vector_load %arg18[%get3A_45] {strides = array<i32>} : memref<4096xf32, #tpu.memory_space<vmem>>, vector<16xf32>,
        tpu.vector_store_idx %arg15[%select_n3A], %get3A_46 masked %and3A : memref<3128xf32, #tpu.memory_space<vmem>>[vector<16xi32>], vector<16xf32>, vector<16xi1>
        %mul3A_47 = arith.constant 16 : i32
        %mul3A_48 = arith.muli %scan3A_33, %mul3A_47 : i32
        %get3A_49 = arith.index_cast %mul3A_48 : i32 to index
        %get3A_50 = tpu.vector_load %arg19[%get3A_49] {strides = array<i32>} : memref<4096xf32, #tpu.memory_space<vmem>>, vector<16xf32>,
        tpu.vector_store_idx %arg16[%select_n3A], %get3A_50 masked %and3A : memref<3128xf32, #tpu.memory_space<vmem>>[vector<16xi32>], vector<16xf32>, vector<16xi1>
        %scan3A_51 = arith.constant 0 : i32
        scf.yield %scan3A_51 : i32
      }
      %scan3A_22 = arith.constant 256 : i32
      %lt3A_23 = arith.constant 15 : i32
      %lt3A_24 = arith.cmpi slt, %arg1, %lt3A_23 : i32
      %convert_element_type3A_25 = arith.extui %lt3A_24 : i1 to i32
      %cond3A_26 = arith.constant 0 : i32
      %cond3A_27 = arith.cmpi ne, %convert_element_type3A_25, %cond3A_26 : i32
      scf.if %cond3A_27 {
        %mul3A_33 = arith.constant 3128 : i32
        %mul3A_34 = arith.muli %arg1, %mul3A_33 : i32
        "tpu.region"() ({
          %run_scoped3A = tpu.sem_alloc : memref<!tpu.dma_semaphore, #tpu.memory_space<semaphore_mem>>
          %dma_start3A = tpu.memref_slice %arg13[%mul3A_34] : memref<50020xf32, #tpu.memory_space<hbm>> -> memref<3128xf32, #tpu.memory_space<hbm>>
          %dma_start3A_37 = tpu.memref_slice %arg13[%mul3A_34] : memref<50020xf32, #tpu.memory_space<hbm>> -> memref<3128xf32, #tpu.memory_space<hbm>>
          tpu.enqueue_dma source(%arg15 : memref<3128xf32, #tpu.memory_space<vmem>>) target(%dma_start3A_37 : memref<3128xf32, #tpu.memory_space<hbm>>) target_semaphore(%run_scoped3A : memref<!tpu.dma_semaphore, #tpu.memory_space<semaphore_mem>>)
          %dma_wait3A = tpu.memref_slice %arg13[%mul3A_34] : memref<50020xf32, #tpu.memory_space<hbm>> -> memref<3128xf32, #tpu.memory_space<hbm>>
          %dma_wait3A_38 = tpu.memref_slice %arg13[%mul3A_34] : memref<50020xf32, #tpu.memory_space<hbm>> -> memref<3128xf32, #tpu.memory_space<hbm>>
          tpu.wait_dma2 semaphore(%run_scoped3A : memref<!tpu.dma_semaphore, #tpu.memory_space<semaphore_mem>>) src(%arg15 : memref<3128xf32, #tpu.memory_space<vmem>>) dst(%dma_wait3A_38 : memref<3128xf32, #tpu.memory_space<hbm>>)
          tpu.yield
        }) : () -> ()
        %mul3A_35 = arith.constant 3128 : i32
        %mul3A_36 = arith.muli %arg1, %mul3A_35 : i32
        "tpu.region"() ({
          %run_scoped3A = tpu.sem_alloc : memref<!tpu.dma_semaphore, #tpu.memory_space<semaphore_mem>>
          %dma_start3A = tpu.memref_slice %arg14[%mul3A_36] : memref<50020xf32, #tpu.memory_space<hbm>> -> memref<3128xf32, #tpu.memory_space<hbm>>
          %dma_start3A_37 = tpu.memref_slice %arg14[%mul3A_36] : memref<50020xf32, #tpu.memory_space<hbm>> -> memref<3128xf32, #tpu.memory_space<hbm>>
          tpu.enqueue_dma source(%arg16 : memref<3128xf32, #tpu.memory_space<vmem>>) target(%dma_start3A_37 : memref<3128xf32, #tpu.memory_space<hbm>>) target_semaphore(%run_scoped3A : memref<!tpu.dma_semaphore, #tpu.memory_space<semaphore_mem>>)
          %dma_wait3A = tpu.memref_slice %arg14[%mul3A_36] : memref<50020xf32, #tpu.memory_space<hbm>> -> memref<3128xf32, #tpu.memory_space<hbm>>
          %dma_wait3A_38 = tpu.memref_slice %arg14[%mul3A_36] : memref<50020xf32, #tpu.memory_space<hbm>> -> memref<3128xf32, #tpu.memory_space<hbm>>
          tpu.wait_dma2 semaphore(%run_scoped3A : memref<!tpu.dma_semaphore, #tpu.memory_space<semaphore_mem>>) src(%arg16 : memref<3128xf32, #tpu.memory_space<vmem>>) dst(%dma_wait3A_38 : memref<3128xf32, #tpu.memory_space<hbm>>)
          tpu.yield
        }) : () -> ()
      } else {
      }
      %eq3A_28 = arith.constant 15 : i32
      %eq3A_29 = arith.cmpi eq, %arg1, %eq3A_28 : i32
      %convert_element_type3A_30 = arith.extui %eq3A_29 : i1 to i32
      %cond3A_31 = arith.constant 0 : i32
      %cond3A_32 = arith.cmpi ne, %convert_element_type3A_30, %cond3A_31 : i32
      scf.if %cond3A_32 {
        "tpu.region"() ({
          %run_scoped3A = tpu.sem_alloc : memref<!tpu.dma_semaphore, #tpu.memory_space<semaphore_mem>>
          %dma_start3A = arith.constant 0 : i32
          %dma_start3A_33 = tpu.memref_slice %arg15[%dma_start3A] : memref<3128xf32, #tpu.memory_space<vmem>> -> memref<3100xf32, #tpu.memory_space<vmem>>
          %dma_start3A_34 = arith.constant 46920 : i32
          %dma_start3A_35 = tpu.memref_slice %arg13[%dma_start3A_34] : memref<50020xf32, #tpu.memory_space<hbm>> -> memref<3100xf32, #tpu.memory_space<hbm>>
          %dma_start3A_36 = arith.constant 46920 : i32
          %dma_start3A_37 = tpu.memref_slice %arg13[%dma_start3A_36] : memref<50020xf32, #tpu.memory_space<hbm>> -> memref<3100xf32, #tpu.memory_space<hbm>>
          %dma_start3A_38 = arith.constant 0 : i32
          %dma_start3A_39 = tpu.memref_slice %arg15[%dma_start3A_38] : memref<3128xf32, #tpu.memory_space<vmem>> -> memref<3100xf32, #tpu.memory_space<vmem>>
          tpu.enqueue_dma source(%dma_start3A_39 : memref<3100xf32, #tpu.memory_space<vmem>>) target(%dma_start3A_37 : memref<3100xf32, #tpu.memory_space<hbm>>) target_semaphore(%run_scoped3A : memref<!tpu.dma_semaphore, #tpu.memory_space<semaphore_mem>>)
          %dma_wait3A = arith.constant 0 : i32
          %dma_wait3A_40 = tpu.memref_slice %arg15[%dma_wait3A] : memref<3128xf32, #tpu.memory_space<vmem>> -> memref<3100xf32, #tpu.memory_space<vmem>>
          %dma_wait3A_41 = arith.constant 46920 : i32
          %dma_wait3A_42 = tpu.memref_slice %arg13[%dma_wait3A_41] : memref<50020xf32, #tpu.memory_space<hbm>> -> memref<3100xf32, #tpu.memory_space<hbm>>
          %dma_wait3A_43 = arith.constant 46920 : i32
          %dma_wait3A_44 = tpu.memref_slice %arg13[%dma_wait3A_43] : memref<50020xf32, #tpu.memory_space<hbm>> -> memref<3100xf32, #tpu.memory_space<hbm>>
          %dma_wait3A_45 = arith.constant 0 : i32
          %dma_wait3A_46 = tpu.memref_slice %arg15[%dma_wait3A_45] : memref<3128xf32, #tpu.memory_space<vmem>> -> memref<3100xf32, #tpu.memory_space<vmem>>
          tpu.wait_dma2 semaphore(%run_scoped3A : memref<!tpu.dma_semaphore, #tpu.memory_space<semaphore_mem>>) src(%dma_wait3A_46 : memref<3100xf32, #tpu.memory_space<vmem>>) dst(%dma_wait3A_44 : memref<3100xf32, #tpu.memory_space<hbm>>)
          tpu.yield
        }) : () -> ()
        "tpu.region"() ({
          %run_scoped3A = tpu.sem_alloc : memref<!tpu.dma_semaphore, #tpu.memory_space<semaphore_mem>>
          %dma_start3A = arith.constant 0 : i32
          %dma_start3A_33 = tpu.memref_slice %arg16[%dma_start3A] : memref<3128xf32, #tpu.memory_space<vmem>> -> memref<3100xf32, #tpu.memory_space<vmem>>
          %dma_start3A_34 = arith.constant 46920 : i32
          %dma_start3A_35 = tpu.memref_slice %arg14[%dma_start3A_34] : memref<50020xf32, #tpu.memory_space<hbm>> -> memref<3100xf32, #tpu.memory_space<hbm>>
          %dma_start3A_36 = arith.constant 46920 : i32
          %dma_start3A_37 = tpu.memref_slice %arg14[%dma_start3A_36] : memref<50020xf32, #tpu.memory_space<hbm>> -> memref<3100xf32, #tpu.memory_space<hbm>>
          %dma_start3A_38 = arith.constant 0 : i32
          %dma_start3A_39 = tpu.memref_slice %arg16[%dma_start3A_38] : memref<3128xf32, #tpu.memory_space<vmem>> -> memref<3100xf32, #tpu.memory_space<vmem>>
          tpu.enqueue_dma source(%dma_start3A_39 : memref<3100xf32, #tpu.memory_space<vmem>>) target(%dma_start3A_37 : memref<3100xf32, #tpu.memory_space<hbm>>) target_semaphore(%run_scoped3A : memref<!tpu.dma_semaphore, #tpu.memory_space<semaphore_mem>>)
          %dma_wait3A = arith.constant 0 : i32
          %dma_wait3A_40 = tpu.memref_slice %arg16[%dma_wait3A] : memref<3128xf32, #tpu.memory_space<vmem>> -> memref<3100xf32, #tpu.memory_space<vmem>>
          %dma_wait3A_41 = arith.constant 46920 : i32
          %dma_wait3A_42 = tpu.memref_slice %arg14[%dma_wait3A_41] : memref<50020xf32, #tpu.memory_space<hbm>> -> memref<3100xf32, #tpu.memory_space<hbm>>
          %dma_wait3A_43 = arith.constant 46920 : i32
          %dma_wait3A_44 = tpu.memref_slice %arg14[%dma_wait3A_43] : memref<50020xf32, #tpu.memory_space<hbm>> -> memref<3100xf32, #tpu.memory_space<hbm>>
          %dma_wait3A_45 = arith.constant 0 : i32
          %dma_wait3A_46 = tpu.memref_slice %arg16[%dma_wait3A_45] : memref<3128xf32, #tpu.memory_space<vmem>> -> memref<3100xf32, #tpu.memory_space<vmem>>
          tpu.wait_dma2 semaphore(%run_scoped3A : memref<!tpu.dma_semaphore, #tpu.memory_space<semaphore_mem>>) src(%dma_wait3A_46 : memref<3100xf32, #tpu.memory_space<vmem>>) dst(%dma_wait3A_44 : memref<3100xf32, #tpu.memory_space<hbm>>)
          tpu.yield
        }) : () -> ()
      } else {
      }
    } else {
    }
    return
  }
}

module attributes {stable_mosaic.version = 14 : i64} {
  func.func @_dense_body(%arg0: i32, %arg1: memref<512x64xf32, #tpu.memory_space<vmem>>, %arg2: memref<64x8192xf32, #tpu.memory_space<vmem>>, %arg3: memref<512x64xf32, #tpu.memory_space<vmem>>, %arg4: memref<512x1xi32, #tpu.memory_space<vmem>>, %arg5: memref<512x1xf32, #tpu.memory_space<vmem>>, %arg6: memref<512x1xf32, #tpu.memory_space<vmem>>, %arg7: memref<512x1xf32, #tpu.memory_space<vmem>>, %arg8: memref<512x1xf32, #tpu.memory_space<vmem>>, %arg9: memref<1x4096xf32, #tpu.memory_space<vmem>>, %arg10: memref<512x1xf32, #tpu.memory_space<vmem>>, %arg11: memref<512x1xf32, #tpu.memory_space<vmem>>, %arg12: memref<512x1xf32, #tpu.memory_space<vmem>>, %arg13: memref<512x1xf32, #tpu.memory_space<vmem>>, %arg14: memref<512x1xi32, #tpu.memory_space<vmem>>, %arg15: memref<1x1xf32, #tpu.memory_space<vmem>>, %arg16: memref<1xf32, #tpu.memory_space<smem>>) attributes {dimension_semantics = [#tpu.dimension_semantics<arbitrary>], iteration_bounds = array<i64: 8>, scalar_prefetch = 0 : i64, scratch_operands = 1 : i64, tpu.core_type = #tpu.core_type<tc>, window_params = [{transform_indices = @transform_0, window_bounds = array<i64: 512, 64>}, {pipeline_mode = #tpu.pipeline_mode<synchronous>, transform_indices = @transform_1, window_bounds = array<i64: 64, 8192>}, {transform_indices = @transform_2, window_bounds = array<i64: 512, 64>}, {transform_indices = @transform_3, window_bounds = array<i64: 512, 1>}, {transform_indices = @transform_4, window_bounds = array<i64: 512, 1>}, {transform_indices = @transform_5, window_bounds = array<i64: 512, 1>}, {transform_indices = @transform_6, window_bounds = array<i64: 512, 1>}, {transform_indices = @transform_7, window_bounds = array<i64: 512, 1>}, {pipeline_mode = #tpu.pipeline_mode<synchronous>, transform_indices = @transform_8, window_bounds = array<i64: 1, 4096>}, {transform_indices = @transform_9, window_bounds = array<i64: 512, 1>}, {transform_indices = @transform_10, window_bounds = array<i64: 512, 1>}, {transform_indices = @transform_11, window_bounds = array<i64: 512, 1>}, {transform_indices = @transform_12, window_bounds = array<i64: 512, 1>}, {transform_indices = @transform_13, window_bounds = array<i64: 512, 1>}, {pipeline_mode = #tpu.pipeline_mode<synchronous>, transform_indices = @transform_14, window_bounds = array<i64: 1, 1>}]} {
    %get3A = arith.constant 0 : index
    %get3A_0 = arith.constant 0 : index
    %get3A_1 = vector.load %arg1[%get3A, %get3A_0] : memref<512x64xf32, #tpu.memory_space<vmem>>, vector<512x64xf32>
    %mul3A = arith.constant 14.2857141 : f32
    %mul3A_2 = vector.broadcast %mul3A : f32 to vector<512x64xf32>
    %mul3A_3 = arith.mulf %get3A_1, %mul3A_2 : vector<512x64xf32>
    %get3A_4 = arith.constant 0 : index
    %get3A_5 = arith.constant 0 : index
    %get3A_6 = vector.load %arg2[%get3A_4, %get3A_5] : memref<64x8192xf32, #tpu.memory_space<vmem>>, vector<64x8192xf32>
    %dot_general3A = arith.constant dense<0.000000e+00> : vector<512x8192xf32>
    %dot_general3A_7 = tpu.matmul %mul3A_3, %get3A_6, %dot_general3A {dimension_numbers = #tpu.dot_dimension_numbers<[1], [0], [0], [1], [0, 0, 1, 1], [], []>, transpose_lhs_hint = false} : vector<512x64xf32>, vector<64x8192xf32>, vector<512x8192xf32> -> vector<512x8192xf32>
    %reduce_max3A = arith.constant dense<0xFF800000> : vector<512xf32>
    %reduce_max3A_8 = vector.multi_reduction <maximumf>, %dot_general3A_7, %reduce_max3A [1] : vector<512x8192xf32> to vector<512xf32>
    %broadcast_in_dim3A = vector.shape_cast %reduce_max3A_8 : vector<512xf32> to vector<512x1xf32>
    %sub3A = vector.broadcast %broadcast_in_dim3A : vector<512x1xf32> to vector<512x8192xf32>
    %sub3A_9 = arith.subf %dot_general3A_7, %sub3A : vector<512x8192xf32>
    %exp3A = math.exp %sub3A_9 : vector<512x8192xf32>
    %iota3A = tpu.iota {dimensions = array<i32: 1>} : vector<512x8192xi32>
    %mul3A_10 = arith.constant 512 : i32
    %mul3A_11 = arith.muli %arg0, %mul3A_10 : i32
    %iota3A_12 = tpu.iota {dimensions = array<i32: 0>} : vector<512x8192xi32>
    %add3A = vector.broadcast %mul3A_11 : i32 to vector<512x8192xi32>
    %add3A_13 = arith.addi %add3A, %iota3A_12 : vector<512x8192xi32>
    %eq3A = arith.cmpi eq, %iota3A, %add3A_13 : vector<512x8192xi32>
    %jit3A = arith.constant 0.000000e+00 : f32
    %broadcast_in_dim3A_14 = vector.broadcast %jit3A : f32 to vector<512x8192xf32>
    %select_n3A = arith.select %eq3A, %broadcast_in_dim3A_14, %exp3A : vector<512x8192xi1>, vector<512x8192xf32>
    %reduce_sum3A = arith.constant dense<0.000000e+00> : vector<512xf32>
    %reduce_sum3A_15 = vector.multi_reduction <add>, %select_n3A, %reduce_sum3A [1] : vector<512x8192xf32> to vector<512xf32>
    %broadcast_in_dim3A_16 = vector.shape_cast %reduce_sum3A_15 : vector<512xf32> to vector<512x1xf32>
    %get3A_17 = arith.constant 0 : index
    %get3A_18 = arith.constant 0 : index
    %get3A_19 = vector.load %arg3[%get3A_17, %get3A_18] : memref<512x64xf32, #tpu.memory_space<vmem>>, vector<512x64xf32>
    %mul3A_20 = arith.mulf %mul3A_3, %get3A_19 : vector<512x64xf32>
    %reduce_sum3A_21 = arith.constant dense<0.000000e+00> : vector<512xf32>
    %reduce_sum3A_22 = vector.multi_reduction <add>, %mul3A_20, %reduce_sum3A_21 [1] : vector<512x64xf32> to vector<512xf32>
    %broadcast_in_dim3A_23 = vector.shape_cast %reduce_sum3A_22 : vector<512xf32> to vector<512x1xf32>
    %sub3A_24 = arith.subf %broadcast_in_dim3A_23, %broadcast_in_dim3A : vector<512x1xf32>
    %exp3A_25 = math.exp %sub3A_24 : vector<512x1xf32>
    %get3A_26 = arith.constant 0 : index
    %get3A_27 = arith.constant 0 : index
    %get3A_28 = vector.load %arg9[%get3A_26, %get3A_27] : memref<1x4096xf32, #tpu.memory_space<vmem>>, vector<1x4096xf32>
    %reduce_sum3A_29 = vector.shape_cast %get3A_28 : vector<1x4096xf32> to vector<1x1x4096xf32>
    %reduce_sum3A_30 = arith.constant dense<0.000000e+00> : vector<1xf32>
    %reduce_sum3A_31 = vector.multi_reduction <add>, %reduce_sum3A_29, %reduce_sum3A_30 [1, 2] : vector<1x1x4096xf32> to vector<1xf32>
    %reduce_sum3A_32 = vector.shape_cast %reduce_sum3A_31 : vector<1xf32> to vector<1x1x1xf32>
    %reduce_sum3A_33 = vector.extract %reduce_sum3A_32[0, 0, 0] : f32 from vector<1x1x1xf32>
    %eq3A_34 = arith.constant 0.000000e+00 : f32
    %eq3A_35 = arith.cmpf oeq, %reduce_sum3A_33, %eq3A_34 : f32
    %jit3A_36 = arith.constant 1.000000e+00 : f32
    %jit3A_37 = arith.constant 0.899999976 : f32
    %select_n3A_38 = arith.select %eq3A_35, %jit3A_36, %jit3A_37 : f32
    %sub3A_39 = arith.constant 1.000000e+00 : f32
    %sub3A_40 = arith.subf %sub3A_39, %select_n3A_38 : f32
    %get3A_41 = arith.constant 0 : index
    %get3A_42 = arith.constant 0 : index
    %get3A_43 = vector.load %arg5[%get3A_41, %get3A_42] : memref<512x1xf32, #tpu.memory_space<vmem>>, vector<512x1xf32>
    %get3A_44 = arith.constant 0 : index
    %get3A_45 = arith.constant 0 : index
    %get3A_46 = vector.load %arg6[%get3A_44, %get3A_45] : memref<512x1xf32, #tpu.memory_space<vmem>>, vector<512x1xf32>
    %sub3A_47 = arith.subf %get3A_43, %get3A_46 : vector<512x1xf32>
    %mul3A_48 = vector.broadcast %sub3A_40 : f32 to vector<512x1xf32>
    %mul3A_49 = arith.mulf %mul3A_48, %sub3A_47 : vector<512x1xf32>
    %add3A_50 = arith.addf %mul3A_49, %broadcast_in_dim3A_16 : vector<512x1xf32>
    %div3A = arith.divf %exp3A_25, %add3A_50 : vector<512x1xf32>
    %get3A_51 = arith.constant 0 : index
    %get3A_52 = arith.constant 0 : index
    %get3A_53 = vector.load %arg7[%get3A_51, %get3A_52] : memref<512x1xf32, #tpu.memory_space<vmem>>, vector<512x1xf32>
    %get3A_54 = arith.constant 0 : index
    %get3A_55 = arith.constant 0 : index
    %get3A_56 = vector.load %arg8[%get3A_54, %get3A_55] : memref<512x1xf32, #tpu.memory_space<vmem>>, vector<512x1xf32>
    %sub3A_57 = arith.subf %get3A_53, %get3A_56 : vector<512x1xf32>
    %mul3A_58 = vector.broadcast %sub3A_40 : f32 to vector<512x1xf32>
    %mul3A_59 = arith.mulf %mul3A_58, %sub3A_57 : vector<512x1xf32>
    %add3A_60 = arith.addf %mul3A_59, %div3A : vector<512x1xf32>
    %get3A_61 = arith.constant 0 : index
    %get3A_62 = arith.constant 0 : index
    %get3A_63 = vector.load %arg4[%get3A_61, %get3A_62] : memref<512x1xi32, #tpu.memory_space<vmem>>, vector<512x1xi32>
    %iota3A_64 = tpu.iota {dimensions = array<i32: 0>} : vector<512x1xi32>
    %jit3A_65 = arith.constant 16 : i32
    %eq3A_66 = arith.constant 0 : i32
    %eq3A_67 = arith.cmpi eq, %jit3A_65, %eq3A_66 : i32
    %jit3A_68 = arith.constant 1 : i32
    %select_n3A_69 = arith.select %eq3A_67, %jit3A_68, %jit3A_65 : i32
    %rem3A = vector.broadcast %select_n3A_69 : i32 to vector<512x1xi32>
    %rem3A_70 = arith.remsi %iota3A_64, %rem3A : vector<512x1xi32>
    %ne3A = arith.constant 0 : i32
    %ne3A_71 = vector.broadcast %ne3A : i32 to vector<512x1xi32>
    %ne3A_72 = arith.cmpi ne, %rem3A_70, %ne3A_71 : vector<512x1xi32>
    %lt3A = arith.constant 0 : i32
    %lt3A_73 = vector.broadcast %lt3A : i32 to vector<512x1xi32>
    %lt3A_74 = arith.cmpi slt, %rem3A_70, %lt3A_73 : vector<512x1xi32>
    %lt3A_75 = arith.constant 0 : i32
    %lt3A_76 = arith.cmpi slt, %select_n3A_69, %lt3A_75 : i32
    %ne3A_77 = vector.broadcast %lt3A_76 : i1 to vector<512x1xi1>
    %ne3A_78 = vector.broadcast %ne3A_77 : vector<512x1xi1> to vector<512x1xi1>
    %ne3A_79 = arith.xori %lt3A_74, %ne3A_78 : vector<512x1xi1>
    %and3A = arith.andi %ne3A_79, %ne3A_72 : vector<512x1xi1>
    %add3A_80 = vector.broadcast %select_n3A_69 : i32 to vector<512x1xi32>
    %add3A_81 = arith.addi %rem3A_70, %add3A_80 : vector<512x1xi32>
    %select_n3A_82 = arith.select %and3A, %add3A_81, %rem3A_70 : vector<512x1xi1>, vector<512x1xi32>
    %broadcast_in_dim3A_83 = arith.constant false
    %broadcast_in_dim3A_84 = vector.broadcast %broadcast_in_dim3A_83 : i1 to vector<512x1xi1>
    %slice3A = vector.extract_strided_slice %get3A_63 {offsets = [1, 0], sizes = [511, 1], strides = [1, 1]} : vector<512x1xi32> to vector<511x1xi32>
    %broadcast_in_dim3A_85 = arith.constant -1 : i32
    %broadcast_in_dim3A_86 = vector.broadcast %broadcast_in_dim3A_85 : i32 to vector<1x1xi32>
    %concatenate3A = tpu.concatenate %slice3A, %broadcast_in_dim3A_86 in 0 : vector<511x1xi32>, vector<1x1xi32> -> vector<512x1xi32>
    %eq3A_87 = arith.cmpi eq, %get3A_63, %concatenate3A : vector<512x1xi32>
    %lt3A_88 = arith.constant 15 : i32
    %lt3A_89 = vector.broadcast %lt3A_88 : i32 to vector<512x1xi32>
    %lt3A_90 = arith.cmpi slt, %select_n3A_82, %lt3A_89 : vector<512x1xi32>
    %and3A_91 = arith.andi %eq3A_87, %lt3A_90 : vector<512x1xi1>
    %or3A = arith.ori %broadcast_in_dim3A_84, %and3A_91 : vector<512x1xi1>
    %slice3A_92 = vector.extract_strided_slice %get3A_63 {offsets = [2, 0], sizes = [510, 1], strides = [1, 1]} : vector<512x1xi32> to vector<510x1xi32>
    %broadcast_in_dim3A_93 = arith.constant -1 : i32
    %broadcast_in_dim3A_94 = vector.broadcast %broadcast_in_dim3A_93 : i32 to vector<2x1xi32>
    %concatenate3A_95 = tpu.concatenate %slice3A_92, %broadcast_in_dim3A_94 in 0 : vector<510x1xi32>, vector<2x1xi32> -> vector<512x1xi32>
    %eq3A_96 = arith.cmpi eq, %get3A_63, %concatenate3A_95 : vector<512x1xi32>
    %lt3A_97 = arith.constant 14 : i32
    %lt3A_98 = vector.broadcast %lt3A_97 : i32 to vector<512x1xi32>
    %lt3A_99 = arith.cmpi slt, %select_n3A_82, %lt3A_98 : vector<512x1xi32>
    %and3A_100 = arith.andi %eq3A_96, %lt3A_99 : vector<512x1xi1>
    %or3A_101 = arith.ori %or3A, %and3A_100 : vector<512x1xi1>
    %slice3A_102 = vector.extract_strided_slice %get3A_63 {offsets = [3, 0], sizes = [509, 1], strides = [1, 1]} : vector<512x1xi32> to vector<509x1xi32>
    %broadcast_in_dim3A_103 = arith.constant -1 : i32
    %broadcast_in_dim3A_104 = vector.broadcast %broadcast_in_dim3A_103 : i32 to vector<3x1xi32>
    %concatenate3A_105 = tpu.concatenate %slice3A_102, %broadcast_in_dim3A_104 in 0 : vector<509x1xi32>, vector<3x1xi32> -> vector<512x1xi32>
    %eq3A_106 = arith.cmpi eq, %get3A_63, %concatenate3A_105 : vector<512x1xi32>
    %lt3A_107 = arith.constant 13 : i32
    %lt3A_108 = vector.broadcast %lt3A_107 : i32 to vector<512x1xi32>
    %lt3A_109 = arith.cmpi slt, %select_n3A_82, %lt3A_108 : vector<512x1xi32>
    %and3A_110 = arith.andi %eq3A_106, %lt3A_109 : vector<512x1xi1>
    %or3A_111 = arith.ori %or3A_101, %and3A_110 : vector<512x1xi1>
    %slice3A_112 = vector.extract_strided_slice %get3A_63 {offsets = [4, 0], sizes = [508, 1], strides = [1, 1]} : vector<512x1xi32> to vector<508x1xi32>
    %broadcast_in_dim3A_113 = arith.constant -1 : i32
    %broadcast_in_dim3A_114 = vector.broadcast %broadcast_in_dim3A_113 : i32 to vector<4x1xi32>
    %concatenate3A_115 = tpu.concatenate %slice3A_112, %broadcast_in_dim3A_114 in 0 : vector<508x1xi32>, vector<4x1xi32> -> vector<512x1xi32>
    %eq3A_116 = arith.cmpi eq, %get3A_63, %concatenate3A_115 : vector<512x1xi32>
    %lt3A_117 = arith.constant 12 : i32
    %lt3A_118 = vector.broadcast %lt3A_117 : i32 to vector<512x1xi32>
    %lt3A_119 = arith.cmpi slt, %select_n3A_82, %lt3A_118 : vector<512x1xi32>
    %and3A_120 = arith.andi %eq3A_116, %lt3A_119 : vector<512x1xi1>
    %or3A_121 = arith.ori %or3A_111, %and3A_120 : vector<512x1xi1>
    %slice3A_122 = vector.extract_strided_slice %get3A_63 {offsets = [5, 0], sizes = [507, 1], strides = [1, 1]} : vector<512x1xi32> to vector<507x1xi32>
    %broadcast_in_dim3A_123 = arith.constant -1 : i32
    %broadcast_in_dim3A_124 = vector.broadcast %broadcast_in_dim3A_123 : i32 to vector<5x1xi32>
    %concatenate3A_125 = tpu.concatenate %slice3A_122, %broadcast_in_dim3A_124 in 0 : vector<507x1xi32>, vector<5x1xi32> -> vector<512x1xi32>
    %eq3A_126 = arith.cmpi eq, %get3A_63, %concatenate3A_125 : vector<512x1xi32>
    %lt3A_127 = arith.constant 11 : i32
    %lt3A_128 = vector.broadcast %lt3A_127 : i32 to vector<512x1xi32>
    %lt3A_129 = arith.cmpi slt, %select_n3A_82, %lt3A_128 : vector<512x1xi32>
    %and3A_130 = arith.andi %eq3A_126, %lt3A_129 : vector<512x1xi1>
    %or3A_131 = arith.ori %or3A_121, %and3A_130 : vector<512x1xi1>
    %slice3A_132 = vector.extract_strided_slice %get3A_63 {offsets = [6, 0], sizes = [506, 1], strides = [1, 1]} : vector<512x1xi32> to vector<506x1xi32>
    %broadcast_in_dim3A_133 = arith.constant -1 : i32
    %broadcast_in_dim3A_134 = vector.broadcast %broadcast_in_dim3A_133 : i32 to vector<6x1xi32>
    %concatenate3A_135 = tpu.concatenate %slice3A_132, %broadcast_in_dim3A_134 in 0 : vector<506x1xi32>, vector<6x1xi32> -> vector<512x1xi32>
    %eq3A_136 = arith.cmpi eq, %get3A_63, %concatenate3A_135 : vector<512x1xi32>
    %lt3A_137 = arith.constant 10 : i32
    %lt3A_138 = vector.broadcast %lt3A_137 : i32 to vector<512x1xi32>
    %lt3A_139 = arith.cmpi slt, %select_n3A_82, %lt3A_138 : vector<512x1xi32>
    %and3A_140 = arith.andi %eq3A_136, %lt3A_139 : vector<512x1xi1>
    %or3A_141 = arith.ori %or3A_131, %and3A_140 : vector<512x1xi1>
    %slice3A_142 = vector.extract_strided_slice %get3A_63 {offsets = [7, 0], sizes = [505, 1], strides = [1, 1]} : vector<512x1xi32> to vector<505x1xi32>
    %broadcast_in_dim3A_143 = arith.constant -1 : i32
    %broadcast_in_dim3A_144 = vector.broadcast %broadcast_in_dim3A_143 : i32 to vector<7x1xi32>
    %concatenate3A_145 = tpu.concatenate %slice3A_142, %broadcast_in_dim3A_144 in 0 : vector<505x1xi32>, vector<7x1xi32> -> vector<512x1xi32>
    %eq3A_146 = arith.cmpi eq, %get3A_63, %concatenate3A_145 : vector<512x1xi32>
    %lt3A_147 = arith.constant 9 : i32
    %lt3A_148 = vector.broadcast %lt3A_147 : i32 to vector<512x1xi32>
    %lt3A_149 = arith.cmpi slt, %select_n3A_82, %lt3A_148 : vector<512x1xi32>
    %and3A_150 = arith.andi %eq3A_146, %lt3A_149 : vector<512x1xi1>
    %or3A_151 = arith.ori %or3A_141, %and3A_150 : vector<512x1xi1>
    %slice3A_152 = vector.extract_strided_slice %get3A_63 {offsets = [8, 0], sizes = [504, 1], strides = [1, 1]} : vector<512x1xi32> to vector<504x1xi32>
    %broadcast_in_dim3A_153 = arith.constant -1 : i32
    %broadcast_in_dim3A_154 = vector.broadcast %broadcast_in_dim3A_153 : i32 to vector<8x1xi32>
    %concatenate3A_155 = tpu.concatenate %slice3A_152, %broadcast_in_dim3A_154 in 0 : vector<504x1xi32>, vector<8x1xi32> -> vector<512x1xi32>
    %eq3A_156 = arith.cmpi eq, %get3A_63, %concatenate3A_155 : vector<512x1xi32>
    %lt3A_157 = arith.constant 8 : i32
    %lt3A_158 = vector.broadcast %lt3A_157 : i32 to vector<512x1xi32>
    %lt3A_159 = arith.cmpi slt, %select_n3A_82, %lt3A_158 : vector<512x1xi32>
    %and3A_160 = arith.andi %eq3A_156, %lt3A_159 : vector<512x1xi1>
    %or3A_161 = arith.ori %or3A_151, %and3A_160 : vector<512x1xi1>
    %slice3A_162 = vector.extract_strided_slice %get3A_63 {offsets = [9, 0], sizes = [503, 1], strides = [1, 1]} : vector<512x1xi32> to vector<503x1xi32>
    %broadcast_in_dim3A_163 = arith.constant -1 : i32
    %broadcast_in_dim3A_164 = vector.broadcast %broadcast_in_dim3A_163 : i32 to vector<9x1xi32>
    %concatenate3A_165 = tpu.concatenate %slice3A_162, %broadcast_in_dim3A_164 in 0 : vector<503x1xi32>, vector<9x1xi32> -> vector<512x1xi32>
    %eq3A_166 = arith.cmpi eq, %get3A_63, %concatenate3A_165 : vector<512x1xi32>
    %lt3A_167 = arith.constant 7 : i32
    %lt3A_168 = vector.broadcast %lt3A_167 : i32 to vector<512x1xi32>
    %lt3A_169 = arith.cmpi slt, %select_n3A_82, %lt3A_168 : vector<512x1xi32>
    %and3A_170 = arith.andi %eq3A_166, %lt3A_169 : vector<512x1xi1>
    %or3A_171 = arith.ori %or3A_161, %and3A_170 : vector<512x1xi1>
    %slice3A_172 = vector.extract_strided_slice %get3A_63 {offsets = [10, 0], sizes = [502, 1], strides = [1, 1]} : vector<512x1xi32> to vector<502x1xi32>
    %broadcast_in_dim3A_173 = arith.constant -1 : i32
    %broadcast_in_dim3A_174 = vector.broadcast %broadcast_in_dim3A_173 : i32 to vector<10x1xi32>
    %concatenate3A_175 = tpu.concatenate %slice3A_172, %broadcast_in_dim3A_174 in 0 : vector<502x1xi32>, vector<10x1xi32> -> vector<512x1xi32>
    %eq3A_176 = arith.cmpi eq, %get3A_63, %concatenate3A_175 : vector<512x1xi32>
    %lt3A_177 = arith.constant 6 : i32
    %lt3A_178 = vector.broadcast %lt3A_177 : i32 to vector<512x1xi32>
    %lt3A_179 = arith.cmpi slt, %select_n3A_82, %lt3A_178 : vector<512x1xi32>
    %and3A_180 = arith.andi %eq3A_176, %lt3A_179 : vector<512x1xi1>
    %or3A_181 = arith.ori %or3A_171, %and3A_180 : vector<512x1xi1>
    %slice3A_182 = vector.extract_strided_slice %get3A_63 {offsets = [11, 0], sizes = [501, 1], strides = [1, 1]} : vector<512x1xi32> to vector<501x1xi32>
    %broadcast_in_dim3A_183 = arith.constant -1 : i32
    %broadcast_in_dim3A_184 = vector.broadcast %broadcast_in_dim3A_183 : i32 to vector<11x1xi32>
    %concatenate3A_185 = tpu.concatenate %slice3A_182, %broadcast_in_dim3A_184 in 0 : vector<501x1xi32>, vector<11x1xi32> -> vector<512x1xi32>
    %eq3A_186 = arith.cmpi eq, %get3A_63, %concatenate3A_185 : vector<512x1xi32>
    %lt3A_187 = arith.constant 5 : i32
    %lt3A_188 = vector.broadcast %lt3A_187 : i32 to vector<512x1xi32>
    %lt3A_189 = arith.cmpi slt, %select_n3A_82, %lt3A_188 : vector<512x1xi32>
    %and3A_190 = arith.andi %eq3A_186, %lt3A_189 : vector<512x1xi1>
    %or3A_191 = arith.ori %or3A_181, %and3A_190 : vector<512x1xi1>
    %slice3A_192 = vector.extract_strided_slice %get3A_63 {offsets = [12, 0], sizes = [500, 1], strides = [1, 1]} : vector<512x1xi32> to vector<500x1xi32>
    %broadcast_in_dim3A_193 = arith.constant -1 : i32
    %broadcast_in_dim3A_194 = vector.broadcast %broadcast_in_dim3A_193 : i32 to vector<12x1xi32>
    %concatenate3A_195 = tpu.concatenate %slice3A_192, %broadcast_in_dim3A_194 in 0 : vector<500x1xi32>, vector<12x1xi32> -> vector<512x1xi32>
    %eq3A_196 = arith.cmpi eq, %get3A_63, %concatenate3A_195 : vector<512x1xi32>
    %lt3A_197 = arith.constant 4 : i32
    %lt3A_198 = vector.broadcast %lt3A_197 : i32 to vector<512x1xi32>
    %lt3A_199 = arith.cmpi slt, %select_n3A_82, %lt3A_198 : vector<512x1xi32>
    %and3A_200 = arith.andi %eq3A_196, %lt3A_199 : vector<512x1xi1>
    %or3A_201 = arith.ori %or3A_191, %and3A_200 : vector<512x1xi1>
    %slice3A_202 = vector.extract_strided_slice %get3A_63 {offsets = [13, 0], sizes = [499, 1], strides = [1, 1]} : vector<512x1xi32> to vector<499x1xi32>
    %broadcast_in_dim3A_203 = arith.constant -1 : i32
    %broadcast_in_dim3A_204 = vector.broadcast %broadcast_in_dim3A_203 : i32 to vector<13x1xi32>
    %concatenate3A_205 = tpu.concatenate %slice3A_202, %broadcast_in_dim3A_204 in 0 : vector<499x1xi32>, vector<13x1xi32> -> vector<512x1xi32>
    %eq3A_206 = arith.cmpi eq, %get3A_63, %concatenate3A_205 : vector<512x1xi32>
    %lt3A_207 = arith.constant 3 : i32
    %lt3A_208 = vector.broadcast %lt3A_207 : i32 to vector<512x1xi32>
    %lt3A_209 = arith.cmpi slt, %select_n3A_82, %lt3A_208 : vector<512x1xi32>
    %and3A_210 = arith.andi %eq3A_206, %lt3A_209 : vector<512x1xi1>
    %or3A_211 = arith.ori %or3A_201, %and3A_210 : vector<512x1xi1>
    %slice3A_212 = vector.extract_strided_slice %get3A_63 {offsets = [14, 0], sizes = [498, 1], strides = [1, 1]} : vector<512x1xi32> to vector<498x1xi32>
    %broadcast_in_dim3A_213 = arith.constant -1 : i32
    %broadcast_in_dim3A_214 = vector.broadcast %broadcast_in_dim3A_213 : i32 to vector<14x1xi32>
    %concatenate3A_215 = tpu.concatenate %slice3A_212, %broadcast_in_dim3A_214 in 0 : vector<498x1xi32>, vector<14x1xi32> -> vector<512x1xi32>
    %eq3A_216 = arith.cmpi eq, %get3A_63, %concatenate3A_215 : vector<512x1xi32>
    %lt3A_217 = arith.constant 2 : i32
    %lt3A_218 = vector.broadcast %lt3A_217 : i32 to vector<512x1xi32>
    %lt3A_219 = arith.cmpi slt, %select_n3A_82, %lt3A_218 : vector<512x1xi32>
    %and3A_220 = arith.andi %eq3A_216, %lt3A_219 : vector<512x1xi1>
    %or3A_221 = arith.ori %or3A_211, %and3A_220 : vector<512x1xi1>
    %slice3A_222 = vector.extract_strided_slice %get3A_63 {offsets = [15, 0], sizes = [497, 1], strides = [1, 1]} : vector<512x1xi32> to vector<497x1xi32>
    %broadcast_in_dim3A_223 = arith.constant -1 : i32
    %broadcast_in_dim3A_224 = vector.broadcast %broadcast_in_dim3A_223 : i32 to vector<15x1xi32>
    %concatenate3A_225 = tpu.concatenate %slice3A_222, %broadcast_in_dim3A_224 in 0 : vector<497x1xi32>, vector<15x1xi32> -> vector<512x1xi32>
    %eq3A_226 = arith.cmpi eq, %get3A_63, %concatenate3A_225 : vector<512x1xi32>
    %lt3A_227 = arith.constant 1 : i32
    %lt3A_228 = vector.broadcast %lt3A_227 : i32 to vector<512x1xi32>
    %lt3A_229 = arith.cmpi slt, %select_n3A_82, %lt3A_228 : vector<512x1xi32>
    %and3A_230 = arith.andi %eq3A_226, %lt3A_229 : vector<512x1xi1>
    %or3A_231 = arith.ori %or3A_221, %and3A_230 : vector<512x1xi1>
    %jit3A_232 = arith.constant 1048576 : i32
    %broadcast_in_dim3A_233 = vector.broadcast %jit3A_232 : i32 to vector<512x1xi32>
    %select_n3A_234 = arith.select %or3A_231, %broadcast_in_dim3A_233, %get3A_63 : vector<512x1xi1>, vector<512x1xi32>
    %swap3A = arith.constant 0 : index
    %swap3A_235 = arith.constant 0 : index
    %swap3A_236 = vector.load %arg14[%swap3A, %swap3A_235] : memref<512x1xi32, #tpu.memory_space<vmem>>, vector<512x1xi32>
    tpu.vector_store %arg14[%swap3A, %swap3A_235], %select_n3A_234 {strides = array<i32>} : memref<512x1xi32, #tpu.memory_space<vmem>>, vector<512x1xi32>,
    %swap3A_237 = arith.constant 0 : index
    %swap3A_238 = arith.constant 0 : index
    %swap3A_239 = vector.load %arg10[%swap3A_237, %swap3A_238] : memref<512x1xf32, #tpu.memory_space<vmem>>, vector<512x1xf32>
    tpu.vector_store %arg10[%swap3A_237, %swap3A_238], %add3A_50 {strides = array<i32>} : memref<512x1xf32, #tpu.memory_space<vmem>>, vector<512x1xf32>,
    %swap3A_240 = arith.constant 0 : index
    %swap3A_241 = arith.constant 0 : index
    %swap3A_242 = vector.load %arg11[%swap3A_240, %swap3A_241] : memref<512x1xf32, #tpu.memory_space<vmem>>, vector<512x1xf32>
    tpu.vector_store %arg11[%swap3A_240, %swap3A_241], %add3A_60 {strides = array<i32>} : memref<512x1xf32, #tpu.memory_space<vmem>>, vector<512x1xf32>,
    %swap3A_243 = arith.constant 0 : index
    %swap3A_244 = arith.constant 0 : index
    %swap3A_245 = vector.load %arg12[%swap3A_243, %swap3A_244] : memref<512x1xf32, #tpu.memory_space<vmem>>, vector<512x1xf32>
    tpu.vector_store %arg12[%swap3A_243, %swap3A_244], %broadcast_in_dim3A_16 {strides = array<i32>} : memref<512x1xf32, #tpu.memory_space<vmem>>, vector<512x1xf32>,
    %swap3A_246 = arith.constant 0 : index
    %swap3A_247 = arith.constant 0 : index
    %swap3A_248 = vector.load %arg13[%swap3A_246, %swap3A_247] : memref<512x1xf32, #tpu.memory_space<vmem>>, vector<512x1xf32>
    tpu.vector_store %arg13[%swap3A_246, %swap3A_247], %div3A {strides = array<i32>} : memref<512x1xf32, #tpu.memory_space<vmem>>, vector<512x1xf32>,
    %log3A = math.log %add3A_60 : vector<512x1xf32>
    %reduce_sum3A_249 = vector.shape_cast %log3A : vector<512x1xf32> to vector<1x512x1xf32>
    %reduce_sum3A_250 = arith.constant dense<0.000000e+00> : vector<1xf32>
    %reduce_sum3A_251 = vector.multi_reduction <add>, %reduce_sum3A_249, %reduce_sum3A_250 [1, 2] : vector<1x512x1xf32> to vector<1xf32>
    %reduce_sum3A_252 = vector.shape_cast %reduce_sum3A_251 : vector<1xf32> to vector<1x1x1xf32>
    %reduce_sum3A_253 = vector.extract %reduce_sum3A_252[0, 0, 0] : f32 from vector<1x1x1xf32>
    %eq3A_254 = arith.constant 0 : i32
    %eq3A_255 = arith.cmpi eq, %arg0, %eq3A_254 : i32
    %get3A_256 = arith.constant 0 : index
    %get3A_257 = memref.load %arg16[%get3A_256] : memref<1xf32, #tpu.memory_space<smem>>
    %jit3A_258 = arith.constant 0.000000e+00 : f32
    %select_n3A_259 = arith.select %eq3A_255, %jit3A_258, %get3A_257 : f32
    %add3A_260 = arith.addf %select_n3A_259, %reduce_sum3A_253 : f32
    %swap3A_261 = arith.constant 0 : index
    %swap3A_262 = memref.load %arg16[%swap3A_261] : memref<1xf32, #tpu.memory_space<smem>>
    memref.store %add3A_260, %arg16[%swap3A_261] : memref<1xf32, #tpu.memory_space<smem>>
    %eq3A_263 = arith.constant 7 : i32
    %eq3A_264 = arith.cmpi eq, %arg0, %eq3A_263 : i32
    %convert_element_type3A = arith.extui %eq3A_264 : i1 to i32
    %cond3A = arith.constant 0 : i32
    %cond3A_265 = arith.cmpi ne, %convert_element_type3A, %cond3A : i32
    scf.if %cond3A_265 {
      %get3A_266 = arith.constant 0 : index
      %get3A_267 = memref.load %arg16[%get3A_266] : memref<1xf32, #tpu.memory_space<smem>>
      %mul3A_268 = arith.constant -1.000000e+00 : f32
      %mul3A_269 = arith.mulf %mul3A_268, %get3A_267 : f32
      %div3A_270 = arith.constant 4.096000e+03 : f32
      %div3A_271 = arith.divf %mul3A_269, %div3A_270 : f32
      %reshape3A = vector.broadcast %div3A_271 : f32 to vector<1x1xf32>
      %swap3A_272 = arith.constant 0 : index
      %swap3A_273 = arith.constant 0 : index
      %swap3A_274 = vector.load %arg15[%swap3A_272, %swap3A_273] : memref<1x1xf32, #tpu.memory_space<vmem>>, vector<1x1xf32>
      tpu.vector_store %arg15[%swap3A_272, %swap3A_273], %reshape3A {strides = array<i32>} : memref<1x1xf32, #tpu.memory_space<vmem>>, vector<1x1xf32>,
    } else {
    }
    return
  }
  func.func @transform_0(%arg0: i32) -> (i32, i32) {
    %c0_i32 = arith.constant 0 : i32
    %c0_i32_0 = arith.constant 0 : i32
    return %arg0, %c0_i32 : i32, i32
  }
  func.func @transform_1(%arg0: i32) -> (i32, i32) {
    %c0_i32 = arith.constant 0 : i32
    %c0_i32_0 = arith.constant 0 : i32
    %c0_i32_1 = arith.constant 0 : i32
    return %c0_i32, %c0_i32_0 : i32, i32
  }
  func.func @transform_2(%arg0: i32) -> (i32, i32) {
    %c0_i32 = arith.constant 0 : i32
    %c0_i32_0 = arith.constant 0 : i32
    return %arg0, %c0_i32 : i32, i32
  }
  func.func @transform_3(%arg0: i32) -> (i32, i32) {
    %c0_i32 = arith.constant 0 : i32
    %c0_i32_0 = arith.constant 0 : i32
    return %arg0, %c0_i32 : i32, i32
  }
  func.func @transform_4(%arg0: i32) -> (i32, i32) {
    %c0_i32 = arith.constant 0 : i32
    %c0_i32_0 = arith.constant 0 : i32
    return %arg0, %c0_i32 : i32, i32
  }
  func.func @transform_5(%arg0: i32) -> (i32, i32) {
    %c0_i32 = arith.constant 0 : i32
    %c0_i32_0 = arith.constant 0 : i32
    return %arg0, %c0_i32 : i32, i32
  }
  func.func @transform_6(%arg0: i32) -> (i32, i32) {
    %c0_i32 = arith.constant 0 : i32
    %c0_i32_0 = arith.constant 0 : i32
    return %arg0, %c0_i32 : i32, i32
  }
  func.func @transform_7(%arg0: i32) -> (i32, i32) {
    %c0_i32 = arith.constant 0 : i32
    %c0_i32_0 = arith.constant 0 : i32
    return %arg0, %c0_i32 : i32, i32
  }
  func.func @transform_8(%arg0: i32) -> (i32, i32) {
    %c0_i32 = arith.constant 0 : i32
    %c0_i32_0 = arith.constant 0 : i32
    %c0_i32_1 = arith.constant 0 : i32
    return %c0_i32, %c0_i32_0 : i32, i32
  }
  func.func @transform_9(%arg0: i32) -> (i32, i32) {
    %c0_i32 = arith.constant 0 : i32
    %c0_i32_0 = arith.constant 0 : i32
    return %arg0, %c0_i32 : i32, i32
  }
  func.func @transform_10(%arg0: i32) -> (i32, i32) {
    %c0_i32 = arith.constant 0 : i32
    %c0_i32_0 = arith.constant 0 : i32
    return %arg0, %c0_i32 : i32, i32
  }
  func.func @transform_11(%arg0: i32) -> (i32, i32) {
    %c0_i32 = arith.constant 0 : i32
    %c0_i32_0 = arith.constant 0 : i32
    return %arg0, %c0_i32 : i32, i32
  }
  func.func @transform_12(%arg0: i32) -> (i32, i32) {
    %c0_i32 = arith.constant 0 : i32
    %c0_i32_0 = arith.constant 0 : i32
    return %arg0, %c0_i32 : i32, i32
  }
  func.func @transform_13(%arg0: i32) -> (i32, i32) {
    %c0_i32 = arith.constant 0 : i32
    %c0_i32_0 = arith.constant 0 : i32
    return %arg0, %c0_i32 : i32, i32
  }
  func.func @transform_14(%arg0: i32) -> (i32, i32) {
    %c0_i32 = arith.constant 0 : i32
    %c0_i32_0 = arith.constant 0 : i32
    %c0_i32_1 = arith.constant 0 : i32
    return %c0_i32, %c0_i32_0 : i32, i32
  }
}

</mosaic_0001>

<sc_bundles>
// kernel: kernel.5.cloned.1.call-start
scs
__scs_entry_jumppad:
0x0: {  	(pc) =	sbr.rel $0x88, $3  }
0x1: {  	(tag) =	ssettag $0x0;
	lr =	simm.s32 $0x1  }
0x2: {  	[smem:$0x3F9B] =	sst lr;
	_ =	strace $0xD0000000  }
0x3: {  	_ = 	snop  }
0x4: {  	_ = 	snop  }
0x5: {  	_ = 	snop  }
0x6: {  	_ = 	snop  }
0x7: {  	_ = 	snop  }
__scs_overlays_trampoline_lowered:
0x8: {  	[smem:$0x3FAA] =	sst s0  }
0x9: {  	[smem:$0x3FAB] =	sst s1  }
0xa: {  	[smem:$0x3FAC] =	sst s2  }
0xb: {  	[smem:$0x3FAD] =	sst s3  }
0xc: {  	[smem:$0x3FAE] =	sst s4  }
0xd: {  	[smem:$0x3FAF] =	sst s5  }
0xe: {  	[smem:$0x3FB0] =	sst s6  }
0xf: {  	[smem:$0x3FB1] =	sst s7  }
0x10: {  	[smem:$0x3FB2] =	sst s8  }
0x11: {  	[smem:$0x3FB3] =	sst s9;
	s0 =	simm.s32 @!p0 $0x0  }
0x12: {  	s1 =	sld [smem:$0x3F99];
	s0 =	simm.s32 @p0 $0x1  }
0x13: {  	[smem:$0x3FB4] =	sst s0;
	s0 =	simm.s32 @!p1 $0x0  }
0x14: {  	s2 =	sld [smem:$0x3F98];
	s0 =	simm.s32 @p1 $0x1  }
0x15: {  	[smem:$0x3FB5] =	sst s0;
	s0 =	simm.s32 @!p2 $0x0  }
0x16: {  	s3 =	sld [smem:$0x3FDB];
	s0 =	simm.s32 @p2 $0x1  }
0x17: {  	s4 =	simm.s32 $0x1BF5;
	[smem:$0x3FB7] =	sst s0  }
0x18: {  	s0 =	sld [smem:$0x3F9A];
	_ =	swait.ge [sflag:s4], $0x0  }
0x19: {  	s7 =	sld [smem:$0x3F9B]  }
0x1a: {  	s8 =	sadd.s32 $0xFFFFE003, lr  }
0x1b: {  	s9 =	sadd.s32 $0xFFFFFEF7, lr;
	s5 =	simm.s32 $0xFFFFFFFF;
	p2 =	slt.u32 s8, $0xFFFFF086  }
0x1c: {  	p1 =	slt.u32 s9, $0xF7A;
	s5 =	simm.s32 @!p2 $0x0  }
0x1d: {  	s5 =	simm.s32 @p1 $0x1;
	p0 =	seq.s32 s7, s2  }
0x1e: {  	s7 =	smul.u32 @!p0 $0xF7A, s2;
	p2 =	seq.s32 @!p0 s5, $0x0  }
0x1f: {  	s9 =	smul.u32 $0xF7A, s1;
	s8 =	simm.s32 @!p0 $0x1BF5;
	p2 =	por !p2, p0  }
0x20: {  	[sflag:s8] =	ssyncset.s32 @!p0 $0xFFFFF086;
	s6 =	sadd.s32 @!p0 s3, s7;
	s7 =	simm.s32 @!p0 $0x108  }
0x21: {  	s3 =	sadd.s32 s3, s9;
	s6 =	sadd.s32 @!p0 $0x88, s6;
	s7 =	simm.s32 @p2 $0x1082  }
0x22: {  	[simem:s7], [sflag:s8] =	dma.local @!p0 [hbm:s6], $0xF7A  }
0x23: {  	s9 =	sor.u32 $0xD0000000, s2;
	s6 =	simm.s32 $0x108;
	_ =	swait.ge @!p0 [sflag:s8], $0x0  }
0x24: {  	s3 =	sadd.s32 $0x88, s3;
	s6 =	simm.s32 @!p1 $0x1082;
	[sflag:s4] =	ssyncset.s32 $0xFFFFF086  }
0x25: {  	[simem:s6], [sflag:s4] =	dma.local [hbm:s3], $0xF7A  }
0x26: {  	[smem:$0x3F9B] =	sst s1;
	(tag) =	ssettag s2;
	_ =	strace s9  }
0x27: {  	s1 =	sld [smem:$0x3FAB]  }
0x28: {  	s2 =	sld [smem:$0x3FAC]  }
0x29: {  	s4 =	sld [smem:$0x3FAE]  }
0x2a: {  	p0 =	seq.s32 s5, $0x0;
	s5 =	sld [smem:$0x3FAF]  }
0x2b: {  	s6 =	sld [smem:$0x3FB0]  }
0x2c: {  	s7 =	sld [smem:$0x3FB1]  }
0x2d: {  	s3 =	simm.s32 $0x108;
	s8 =	sld [smem:$0x3FB2]  }
0x2e: {  	s3 =	simm.s32 @!p0 $0x1082;
	s9 =	sld [smem:$0x3FB3]  }
0x2f: {  	lr =	sadd.s32 s0, s3;
	s0 =	sld [smem:$0x3FAA]  }
0x30: {  	s3 =	sld [smem:$0x3FAD]  }
0x31: {  	[smem:$0x3FB6] =	sst s10  }
0x32: {  	s10 =	sld [smem:$0x3FB4];
	_ =	sdelay $0x3  }
0x33: {  	p0 =	seq.s32 s10, $0x1;
	s10 =	sld [smem:$0x3FB6];
	_ =	sdelay $0x3  }
0x34: {  	[smem:$0x3FB6] =	sst s10  }
0x35: {  	s10 =	sld [smem:$0x3FB5];
	_ =	sdelay $0x3  }
0x36: {  	p1 =	seq.s32 s10, $0x1;
	s10 =	sld [smem:$0x3FB6];
	_ =	sdelay $0x3  }
0x37: {  	[smem:$0x3FB6] =	sst s10  }
0x38: {  	s10 =	sld [smem:$0x3FB7]  }
0x39: {  	_ = 	snop;
	(pc) =	sbr.ind lr, $3  }
0x3a: {  	_ = 	snop  }
0x3b: {  	_ = 	snop  }
0x3c: {  	p2 =	seq.s32 s10, $0x1;
	s10 =	sld [smem:$0x3FB6]  }
0x3d: {  	_ =	shalt  }
0x3e: {  	_ =	shalt  }
0x3f: {  	_ =	shalt  }
0x40: {  	_ =	shalt  }
0x41: {  	_ =	shalt  }
0x42: {  	_ =	shalt  }
0x43: {  	_ =	shalt  }
0x44: {  	_ =	shalt  }
0x45: {  	_ =	shalt  }
0x46: {  	_ =	shalt  }
0x47: {  	_ =	shalt  }
0x48: {  	_ =	shalt  }
0x49: {  	_ =	shalt  }
0x4a: {  	_ =	shalt  }
0x4b: {  	_ =	shalt  }
0x4c: {  	_ =	shalt  }
0x4d: {  	_ =	shalt  }
0x4e: {  	_ =	shalt  }
0x4f: {  	_ =	shalt  }
0x50: {  	_ =	shalt  }
0x51: {  	_ =	shalt  }
0x52: {  	_ =	shalt  }
0x53: {  	_ =	shalt  }
0x54: {  	_ =	shalt  }
0x55: {  	_ =	shalt  }
0x56: {  	_ =	shalt  }
0x57: {  	_ =	shalt  }
0x58: {  	_ =	shalt  }
0x59: {  	_ =	shalt  }
0x5a: {  	_ =	shalt  }
0x5b: {  	_ =	shalt  }
0x5c: {  	_ =	shalt  }
0x5d: {  	_ =	shalt  }
0x5e: {  	_ =	shalt  }
0x5f: {  	_ =	shalt  }
0x60: {  	_ =	shalt  }
0x61: {  	_ =	shalt  }
0x62: {  	_ =	shalt  }
0x63: {  	_ =	shalt  }
0x64: {  	_ =	shalt  }
0x65: {  	_ =	shalt  }
0x66: {  	_ =	shalt  }
0x67: {  	_ =	shalt  }
0x68: {  	_ =	shalt  }
0x69: {  	_ =	shalt  }
0x6a: {  	_ =	shalt  }
0x6b: {  	_ =	shalt  }
0x6c: {  	_ =	shalt  }
0x6d: {  	_ =	shalt  }
0x6e: {  	_ =	shalt  }
0x6f: {  	_ =	shalt  }
0x70: {  	_ =	shalt  }
0x71: {  	_ =	shalt  }
0x72: {  	_ =	shalt  }
0x73: {  	_ =	shalt  }
0x74: {  	_ =	shalt  }
0x75: {  	_ =	shalt  }
0x76: {  	_ =	shalt  }
0x77: {  	_ =	shalt  }
0x78: {  	_ =	shalt  }
0x79: {  	_ =	shalt  }
0x7a: {  	_ =	shalt  }
0x7b: {  	_ =	shalt  }
0x7c: {  	_ =	shalt  }
0x7d: {  	_ =	shalt  }
0x7e: {  	_ =	shalt  }
0x7f: {  	_ =	shalt  }
0x80: {  	_ =	shalt  }
0x81: {  	_ =	shalt  }
0x82: {  	_ =	shalt  }
0x83: {  	_ =	shalt  }
0x84: {  	_ =	shalt  }
0x85: {  	_ =	shalt  }
0x86: {  	_ =	shalt  }
0x87: {  	_ =	shalt  }
.Lfunc_end0:
.L_simem_size_0:
called_computation_lowered:
.L_overlay_start_0:
0x88: {  	s2 =	sld [smem:$0x3FD9]  }
0x89: {  	s3 =	sld [smem:$0x3FFE];
	_ =	sdelay $0x1  }
0x8a: {  	s1 =	srdreg.scid  }
0x8b: {  	s0 =	sand.u32 $0x1, s1  }
0x8c: {  	s14 =	sshll.u32 s0, $0xA;
	s2 =	sadd.s32 s3, s2  }
0x8d: {  	s2 =	sadd.s32 s2, s14  }
0x8e: {  	[smem:$0x3FC2] =	sst s2  }
0x8f: {  	_ = 	snop  }
0x90: {  	s2 =	sld [smem:$0x3FD0]  }
0x91: {  	s15 =	sld [smem:$0x3FC8]  }
0x92: {  	s4 =	sld [smem:$0x3FC6]  }
0x93: {  	s6 =	simm.s32 $0xA;
	s7 =	simm.s32 $0x10;
	s5 =	sld [smem:$0x3FC4]  }
0x94: {  	[smem:s7], [sflag:s6] =	dma.local [hbm:s2], $0x1  }
0x95: {  	_ =	swait.eq [sflag:s6], $0x1  }
0x96: {  	s16 =	sld [smem:$0x11]  }
0x97: {  	s17 =	sld [smem:$0x12];
	[sflag:s6] =	ssyncset.done $0x0  }
0x98: {  	s8 =	sld [smem:$0x13];
	[sflag:s6] =	ssyncadd.s32 $0xFFFFFFFF  }
0x99: {  	s18 =	sld [smem:$0x14];
	(tm) =	ssettm $0x1  }
0x9a: {  	s9 =	sld [smem:$0x3FFB];
	_ =	sdelay $0x3  }
0x9b: {  	_ =	strace s9  }
0x9c: {  	s9 =	sld [smem:$0x3FFC];
	_ =	sdelay $0x3  }
0x9d: {  	_ =	strace s9  }
0x9e: {  	s9 =	sld [smem:$0x3FFD];
	_ =	sdelay $0x3  }
0x9f: {  	_ =	strace s9  }
0xa0: {  	_ =	strace $0x8FFFFFFF  }
0xa1: {  	s19 =	sld [smem:$0x3FDB];
	_ =	sdelay $0x1  }
0xa2: {  	s10 =	simm.s32 $_scs_section_size  }
0xa3: {  	s11 =	simm.s32 $_size__tile_overlayer_lowered;
	s12 =	simm.s32 $_tile_overlayer_lowered  }
0xa4: {  	s22 =	simm.s32 $0x1BFF;
	s21 =	sshll.u32 s12, $0x1;
	s9 =	sadd.s32 s10, s19  }
0xa5: {  	s13 =	simm.s32 $0x0;
	s20 =	sshll.u32 s11, $0x1;
	s11 =	sadd.s32 s21, s9  }
0xa6: {  	[timem:s13], [sflag:s22] =	dma.local [hbm:s11], s20  }
0xa7: {  	_ =	swait.ge [sflag:s22], s20  }
0xa8: {  	s10 =	ssub.s32 $0x0, s20;
	[sflag:s22] =	ssyncset.done $0x0  }
0xa9: {  	[sflag:s22] =	ssyncadd.s32 s10;
	_ =	sdelay $0x1  }
0xaa: {  	s23 =	simm.s32 $0x1B8B  }
0xab: {  	_ =	swait.ge [sflag:s23], $0x1  }
0xac: {  	[sflag:s23] =	ssyncset.done $0x0  }
0xad: {  	s25 =	simm.s32 $0x1B8E;
	s24 =	sld [smem:$0x3FFE];
	[sflag:s23] =	ssyncadd.s32 $0xFFFFFFFF  }
0xae: {  	s26 =	simm.s32 $execute0_lowered;
	[smem:$0x3FD2] =	sst s25  }
0xaf: {  	s11 =	sshll.u32 s26, $0x1;
	_ =	strace $0x80000046;
	[dreg:$0x1] =	wrdreg $0xFFFFFFFF  }
0xb0: {  	s28 =	simm.s32 $_size_execute0_lowered;
	s9 =	sadd.s32 s9, s11;
	[dreg:$0x0] =	wrdreg $0x0  }
0xb1: {  	s11 =	sshll.u32 s28, $0x1;
	[dreg:$0x2] =	wrdreg s9  }
0xb2: {  	[dreg:$0x3] =	wrdreg s11  }
0xb3: {  	[dreg:$0x4] =	wrdreg $0xC0  }
0xb4: {  	_ =	task [dreg:s13], $0x5FFFF  }
0xb5: {  	[dreg:$0x1] =	wrdreg $0xFFFFFFFF  }
0xb6: {  	[dreg:$0x0] =	wrdreg $0x60  }
0xb7: {  	[dreg:$0x2] =	wrdreg s15  }
0xb8: {  	[dreg:$0x3] =	wrdreg s24  }
0xb9: {  	[dreg:$0x4] =	wrdreg s4  }
0xba: {  	[dreg:$0x5] =	wrdreg s5  }
0xbb: {  	[dreg:$0x6] =	wrdreg s8  }
0xbc: {  	[dreg:$0x7] =	wrdreg s16  }
0xbd: {  	[dreg:$0x8] =	wrdreg s18  }
0xbe: {  	[dreg:$0x9] =	wrdreg s17  }
0xbf: {  	[dreg:$0xa] =	wrdreg $0x9  }
0xc0: {  	_ =	task.clear_ibuf [dreg:s13], $0xBFFFF;
	_ =	strace $0x90000046  }
0xc1: {  	s29 =	simm.s32 $0x9;
	_ =	strace $0x80000048  }
0xc2: {  	_ =	swait.ge [sflag:s29], $0x1  }
0xc3: {  	[sflag:s29] =	ssyncadd.s32 $0xFFFFFFFF  }
0xc4: {  	_ =	strace $0x90000048  }
0xc5: {  	_ =	sfence  }
0xc6: {  	s30 =	sld [smem:$0x0];
	_ =	sdelay $0x2  }
0xc7: {  	s31 =	sshll.u32 s1, $0xD;
	s1 =	sshrl.u32 s1, $0x2  }
0xc8: {  	s3 =	sand.u32 $0x4000, s31;
	s1 =	sadd.s32 s1, s30  }
0xc9: {  	s0 =	sor.u32 s3, s0;
	s1 =	sshll.u32 s1, $0x11  }
0xca: {  	s0 =	sor.u32 s1, s0  }
0xcb: {  	s0 =	sadd.s32 $0x8F2B, s0  }
0xcc: {  	[sflag:s0] =	ssyncadd.remote.s32 $0x1  }
0xcd: {  	_ =	sfence.sel $0xFFFF  }
0xce: {  	[dreg:$0x0] =	wrdreg $0xFFFFFFFF;
	(pc) =	sbr.abs _section_cstart, $3  }
0xcf: {  	[dreg:$0x1] =	wrdreg $0xFFFFFFFF  }
0xd0: {  	_ =	task.clear_ibuf [dreg:s13], $0x2FFFF;
	_ =	strace $0x9FFFFFFF  }
0xd1: {  	(tm) =	ssettm $0x7FFFFFFF  }
tec
execute0_lowered:
.L_overlay_start_1:
0x0: {  	(tag) =	ssettag $0x1  }
0x1: {  	s6 =	rddreg [dreg:$0x0]  }
0x2: {  	s0 =	rddreg [dreg:$0x1]  }
0x3: {  	s2 =	rddreg [dreg:$0x2]  }
0x4: {  	s3 =	rddreg [dreg:$0x3]  }
0x5: {  	s14 =	rddreg [dreg:$0x4]  }
0x6: {  	s15 =	rddreg [dreg:$0x5]  }
0x7: {  	s16 =	rddreg [dreg:$0x6]  }
0x8: {  	s17 =	rddreg [dreg:$0x7];
	s5 =	srdreg.scid  }
0x9: {  	s1 =	rddreg [dreg:$0x8];
	s4 =	stileid.u32;
	s18 =	sand.u32 $0x1, s5  }
0xa: {  	s5 =	simm.s32 $0x0;
	s7 =	sshll.u32 s4, $0x5;
	s8 =	sshll.u32 s18, $0x4  }
0xb: {  	[smem:$0x7FF] =	sst s5;
	s19 =	sor.u32 s8, s7  }
0xc: {  	_ =	strace $0x80000047;
	s7 =	sadd.s32 s6, s19;
	s6 =	simm.s32 $0x2  }
0xd: {  	[tilespmem:s5], [sflag:$0x2] =	stream.linear.gather [hbm4b:s7+s5], $0x80, $0x38;
	[tilespmem:$0x280] =	vst v63  }
0xe: {  	_ =	swait.ge [sflag:s6], $0x80  }
0xf: {  	[sflag:s6] =	ssyncset.done $0x0  }
0x10: {  	s8 =	simm.s32 $0x80;
	[sflag:s6] =	ssyncadd.s32 $0xFFFFFF80  }
0x11: {  	[tilespmem:s8], [sflag:$0x1] =	stream.indirect.gather [hbm4b:s0+s8], $0x1, s5, s8, $0xb8;
	[tilespmem:$0x280] =	vst v63  }
0x12: {  	s10 =	simm.s32 $0x100;
	s9 =	sadd.s32 $0x1A00, s0  }
0x13: {  	[tilespmem:s10], [sflag:$0x1] =	stream.indirect.gather [hbm4b:s9+s8], $0x1, s5, s8, $0xb8;
	[tilespmem:$0x280] =	vst v63  }
0x14: {  	s11 =	simm.s32 $0x180  }
0x15: {  	[tilespmem:s11], [sflag:$0x1] =	stream.indirect.gather [hbm4b:s2+s8], $0x1, s5, s8, $0xb8;
	[tilespmem:$0x280] =	vst v63  }
0x16: {  	s12 =	simm.s32 $0x200;
	s13 =	simm.s32 $0x1  }
0x17: {  	[tilespmem:s12], [sflag:$0x1] =	stream.indirect.gather [hbm4b:s3+s8], $0x1, s5, s8, $0xb8;
	[tilespmem:$0x280] =	vst v63  }
0x18: {  	_ =	swait.ge [sflag:s13], $0x80  }
0x19: {  	[sflag:s13] =	ssyncset.done $0x0  }
0x1a: {  	[sflag:s13] =	ssyncadd.s32 $0xFFFFFF80  }
0x1b: {  	_ =	swait.ge [sflag:s13], $0x80  }
0x1c: {  	[sflag:s13] =	ssyncset.done $0x0  }
0x1d: {  	[sflag:s13] =	ssyncadd.s32 $0xFFFFFF80  }
0x1e: {  	_ =	swait.ge [sflag:s13], $0x80  }
0x1f: {  	[sflag:s13] =	ssyncset.done $0x0  }
0x20: {  	[sflag:s13] =	ssyncadd.s32 $0xFFFFFF80  }
0x21: {  	_ =	swait.ge [sflag:s13], $0x80  }
0x22: {  	[sflag:s13] =	ssyncset.done $0x0  }
0x23: {  	s14 =	sadd.s32 s14, s19;
	[sflag:s13] =	ssyncadd.s32 $0xFFFFFF80  }
0x24: {  	[hbm4b:s14+s5] =	stream.linear.scatter [tilespmem:s8], [sflag:$0x2], $0x80, $0x38;
	[tilespmem:$0x280] =	vst v63  }
0x25: {  	_ =	swait.ge [sflag:s6], $0x80  }
0x26: {  	[sflag:s6] =	ssyncset.done $0x0  }
0x27: {  	s18 =	ssub.s32 $0x2, s18;
	s15 =	sadd.s32 s15, s19;
	[sflag:s6] =	ssyncadd.s32 $0xFFFFFF80  }
0x28: {  	[hbm4b:s15+s5] =	stream.linear.scatter [tilespmem:s10], [sflag:$0x2], $0x80, $0x38;
	[tilespmem:$0x280] =	vst v63  }
0x29: {  	s20 =	sshrl.u32 s18, $0x1;
	_ =	swait.ge [sflag:s6], $0x80  }
0x2a: {  	s18 =	ssub.s32 s18, s20;
	[sflag:s6] =	ssyncset.done $0x0  }
0x2b: {  	s16 =	sadd.s32 s16, s19;
	s18 =	smax.u32 s18, $0x1;
	[sflag:s6] =	ssyncadd.s32 $0xFFFFFF80  }
0x2c: {  	[hbm4b:s16+s5] =	stream.linear.scatter [tilespmem:s11], [sflag:$0x2], $0x80, $0x38;
	[tilespmem:$0x280] =	vst v63  }
0x2d: {  	p0 =	sne.s32 s18, $0x1;
	_ =	swait.ge [sflag:s6], $0x80  }
.Ltmp0:
0x2e: {  	[sflag:s6] =	ssyncset.done $0x0;
	(pc) =	sbr.rel @!p0 .LBB2_2-.Ltmp0, $4  }
0x2f: {  	s17 =	sadd.s32 s17, s19;
	[sflag:s6] =	ssyncadd.s32 $0xFFFFFF80  }
0x30: {  	[hbm4b:s17+s5] =	stream.linear.scatter [tilespmem:s12], [sflag:$0x2], $0x80, $0x38;
	[tilespmem:$0x280] =	vst v63  }
0x31: {  	_ =	swait.ge [sflag:s6], $0x80  }
0x32: {  	s18 =	sadd.s32 $0xFFFFFFFF, s18;
	[sflag:s6] =	ssyncset.done $0x0  }
.LBB2_1:
0x33: {  	p0 =	sne.s32 s18, $0x1;
	s18 =	sadd.s32 $0xFFFFFFFF, s18;
	[sflag:s6] =	ssyncadd.s32 $0xFFFFFF80  }
0x34: {  	[tilespmem:s5], [sflag:$0x2] =	stream.linear.gather [hbm4b:s7+s5], $0x80, $0x38;
	[tilespmem:$0x280] =	vst v63  }
0x35: {  	_ =	swait.ge [sflag:s6], $0x80  }
0x36: {  	[sflag:s6] =	ssyncset.done $0x0  }
0x37: {  	[sflag:s6] =	ssyncadd.s32 $0xFFFFFF80  }
0x38: {  	[tilespmem:s8], [sflag:$0x1] =	stream.indirect.gather [hbm4b:s0+s8], $0x1, s5, s8, $0xb8;
	[tilespmem:$0x280] =	vst v63  }
0x39: {  	_ = 	snop  }
0x3a: {  	[tilespmem:s10], [sflag:$0x1] =	stream.indirect.gather [hbm4b:s9+s8], $0x1, s5, s8, $0xb8;
	[tilespmem:$0x280] =	vst v63  }
0x3b: {  	_ = 	snop  }
0x3c: {  	[tilespmem:s11], [sflag:$0x1] =	stream.indirect.gather [hbm4b:s2+s8], $0x1, s5, s8, $0xb8;
	[tilespmem:$0x280] =	vst v63  }
0x3d: {  	_ = 	snop  }
0x3e: {  	[tilespmem:s12], [sflag:$0x1] =	stream.indirect.gather [hbm4b:s3+s8], $0x1, s5, s8, $0xb8;
	[tilespmem:$0x280] =	vst v63  }
0x3f: {  	_ =	swait.ge [sflag:s13], $0x80  }
0x40: {  	[sflag:s13] =	ssyncset.done $0x0  }
0x41: {  	[sflag:s13] =	ssyncadd.s32 $0xFFFFFF80  }
0x42: {  	_ =	swait.ge [sflag:s13], $0x80  }
0x43: {  	[sflag:s13] =	ssyncset.done $0x0  }
0x44: {  	[sflag:s13] =	ssyncadd.s32 $0xFFFFFF80  }
0x45: {  	_ =	swait.ge [sflag:s13], $0x80  }
0x46: {  	[sflag:s13] =	ssyncset.done $0x0  }
0x47: {  	[sflag:s13] =	ssyncadd.s32 $0xFFFFFF80  }
0x48: {  	_ =	swait.ge [sflag:s13], $0x80  }
0x49: {  	[sflag:s13] =	ssyncset.done $0x0  }
0x4a: {  	[sflag:s13] =	ssyncadd.s32 $0xFFFFFF80  }
0x4b: {  	[hbm4b:s14+s5] =	stream.linear.scatter [tilespmem:s8], [sflag:$0x2], $0x80, $0x38;
	[tilespmem:$0x280] =	vst v63  }
0x4c: {  	_ =	swait.ge [sflag:s6], $0x80  }
0x4d: {  	[sflag:s6] =	ssyncset.done $0x0  }
0x4e: {  	[sflag:s6] =	ssyncadd.s32 $0xFFFFFF80  }
0x4f: {  	[hbm4b:s15+s5] =	stream.linear.scatter [tilespmem:s10], [sflag:$0x2], $0x80, $0x38;
	[tilespmem:$0x280] =	vst v63  }
0x50: {  	_ =	swait.ge [sflag:s6], $0x80  }
0x51: {  	[sflag:s6] =	ssyncset.done $0x0  }
0x52: {  	[sflag:s6] =	ssyncadd.s32 $0xFFFFFF80  }
0x53: {  	[hbm4b:s16+s5] =	stream.linear.scatter [tilespmem:s11], [sflag:$0x2], $0x80, $0x38;
	[tilespmem:$0x280] =	vst v63  }
0x54: {  	_ =	swait.ge [sflag:s6], $0x80  }
.Ltmp1:
0x55: {  	[sflag:s6] =	ssyncset.done $0x0;
	(pc) =	sbr.rel @p0 .LBB2_1-.Ltmp1, $4  }
0x56: {  	[sflag:s6] =	ssyncadd.s32 $0xFFFFFF80  }
0x57: {  	[hbm4b:s17+s5] =	stream.linear.scatter [tilespmem:s12], [sflag:$0x2], $0x80, $0x38;
	[tilespmem:$0x280] =	vst v63  }
0x58: {  	_ =	swait.ge [sflag:s6], $0x80  }
0x59: {  	[sflag:s6] =	ssyncset.done $0x0  }
.LBB2_2:
0x5a: {  	[sflag:s6] =	ssyncadd.s32 $0xFFFFFF80  }
0x5b: {  	_ =	sfence.sel $0x180000  }
0x5c: {  	[bflag:$0x0] =	sbarrier.arrive $0xFFFF  }
0x5d: {  	p0 =	sne.s32 s4, $0x0;
	_ =	strace $0x90000047  }
0x5e: {  	s0 =	sadd.s32 @!p0 $0x100000, s1;
	[bflag:$0x2] =	sbarrier.arrive $0xFFFF  }
0x5f: {  	[sflag:s0] =	ssyncadd.tile.s32 @!p0 $0x1;
	_ =	shalt  }
.Lfunc_end2:
_tile_overlayer_lowered:
.L_overlay_start_2:
0x60: {  	(tag) =	ssettag $0x2  }
0x61: {  	s0 =	rddreg [dreg:$0x0];
	s2 =	stileid.u32  }
0x62: {  	s1 =	rddreg [dreg:$0x1];
	p0 =	sne.s32 s2, $0x0  }
0x63: {  	s3 =	rddreg [dreg:$0x2];
	[bflag:$0x3] =	sbarrier.arrive $0xFFFF;
	s2 =	simm.s32 @!p0 $0x1C02  }
0x64: {  	[timem:s3], [sflag:s2] =	dma.local @!p0 [hbm:s0], s1  }
0x65: {  	s0 =	simm.s32 @!p0 $0x2  }
0x66: {  	_ =	swait.ge @!p0 [sflag:s0], s1  }
0x67: {  	s1 =	ssub.s32 @!p0 $0x0, s1;
	[sflag:s0] =	ssyncset.done @!p0 $0x0  }
0x68: {  	[sflag:s0] =	ssyncadd.s32 @!p0 s1  }
0x69: {  	[bflag:$0x3] =	sbarrier.arrive $0xFFFF  }
0x6a: {  	_ =	shalt  }

// kernel: kernel.8.cloned.1.call-start
scs
__scs_entry_jumppad:
0x0: {  	(pc) =	sbr.rel $0x88, $3  }
0x1: {  	(tag) =	ssettag $0x0;
	lr =	simm.s32 $0x1  }
0x2: {  	[smem:$0x3F9B] =	sst lr;
	_ =	strace $0xD0000000  }
0x3: {  	_ = 	snop  }
0x4: {  	_ = 	snop  }
0x5: {  	_ = 	snop  }
0x6: {  	_ = 	snop  }
0x7: {  	_ = 	snop  }
__scs_overlays_trampoline_lowered:
0x8: {  	[smem:$0x3FAA] =	sst s0  }
0x9: {  	[smem:$0x3FAB] =	sst s1  }
0xa: {  	[smem:$0x3FAC] =	sst s2  }
0xb: {  	[smem:$0x3FAD] =	sst s3  }
0xc: {  	[smem:$0x3FAE] =	sst s4  }
0xd: {  	[smem:$0x3FAF] =	sst s5  }
0xe: {  	[smem:$0x3FB0] =	sst s6  }
0xf: {  	[smem:$0x3FB1] =	sst s7  }
0x10: {  	[smem:$0x3FB2] =	sst s8  }
0x11: {  	[smem:$0x3FB3] =	sst s9;
	s0 =	simm.s32 @!p0 $0x0  }
0x12: {  	s1 =	sld [smem:$0x3F99];
	s0 =	simm.s32 @p0 $0x1  }
0x13: {  	[smem:$0x3FB4] =	sst s0;
	s0 =	simm.s32 @!p1 $0x0  }
0x14: {  	s2 =	sld [smem:$0x3F98];
	s0 =	simm.s32 @p1 $0x1  }
0x15: {  	[smem:$0x3FB5] =	sst s0;
	s0 =	simm.s32 @!p2 $0x0  }
0x16: {  	s3 =	sld [smem:$0x3FDB];
	s0 =	simm.s32 @p2 $0x1  }
0x17: {  	s4 =	simm.s32 $0x1BF5;
	[smem:$0x3FB7] =	sst s0  }
0x18: {  	s0 =	sld [smem:$0x3F9A];
	_ =	swait.ge [sflag:s4], $0x0  }
0x19: {  	s7 =	sld [smem:$0x3F9B]  }
0x1a: {  	s8 =	sadd.s32 $0xFFFFE003, lr  }
0x1b: {  	s9 =	sadd.s32 $0xFFFFFEF7, lr;
	s5 =	simm.s32 $0xFFFFFFFF;
	p2 =	slt.u32 s8, $0xFFFFF086  }
0x1c: {  	p1 =	slt.u32 s9, $0xF7A;
	s5 =	simm.s32 @!p2 $0x0  }
0x1d: {  	s5 =	simm.s32 @p1 $0x1;
	p0 =	seq.s32 s7, s2  }
0x1e: {  	s7 =	smul.u32 @!p0 $0xF7A, s2;
	p2 =	seq.s32 @!p0 s5, $0x0  }
0x1f: {  	s9 =	smul.u32 $0xF7A, s1;
	s8 =	simm.s32 @!p0 $0x1BF5;
	p2 =	por !p2, p0  }
0x20: {  	[sflag:s8] =	ssyncset.s32 @!p0 $0xFFFFF086;
	s6 =	sadd.s32 @!p0 s3, s7;
	s7 =	simm.s32 @!p0 $0x108  }
0x21: {  	s3 =	sadd.s32 s3, s9;
	s6 =	sadd.s32 @!p0 $0x88, s6;
	s7 =	simm.s32 @p2 $0x1082  }
0x22: {  	[simem:s7], [sflag:s8] =	dma.local @!p0 [hbm:s6], $0xF7A  }
0x23: {  	s9 =	sor.u32 $0xD0000000, s2;
	s6 =	simm.s32 $0x108;
	_ =	swait.ge @!p0 [sflag:s8], $0x0  }
0x24: {  	s3 =	sadd.s32 $0x88, s3;
	s6 =	simm.s32 @!p1 $0x1082;
	[sflag:s4] =	ssyncset.s32 $0xFFFFF086  }
0x25: {  	[simem:s6], [sflag:s4] =	dma.local [hbm:s3], $0xF7A  }
0x26: {  	[smem:$0x3F9B] =	sst s1;
	(tag) =	ssettag s2;
	_ =	strace s9  }
0x27: {  	s1 =	sld [smem:$0x3FAB]  }
0x28: {  	s2 =	sld [smem:$0x3FAC]  }
0x29: {  	s4 =	sld [smem:$0x3FAE]  }
0x2a: {  	p0 =	seq.s32 s5, $0x0;
	s5 =	sld [smem:$0x3FAF]  }
0x2b: {  	s6 =	sld [smem:$0x3FB0]  }
0x2c: {  	s7 =	sld [smem:$0x3FB1]  }
0x2d: {  	s3 =	simm.s32 $0x108;
	s8 =	sld [smem:$0x3FB2]  }
0x2e: {  	s3 =	simm.s32 @!p0 $0x1082;
	s9 =	sld [smem:$0x3FB3]  }
0x2f: {  	lr =	sadd.s32 s0, s3;
	s0 =	sld [smem:$0x3FAA]  }
0x30: {  	s3 =	sld [smem:$0x3FAD]  }
0x31: {  	[smem:$0x3FB6] =	sst s10  }
0x32: {  	s10 =	sld [smem:$0x3FB4];
	_ =	sdelay $0x3  }
0x33: {  	p0 =	seq.s32 s10, $0x1;
	s10 =	sld [smem:$0x3FB6];
	_ =	sdelay $0x3  }
0x34: {  	[smem:$0x3FB6] =	sst s10  }
0x35: {  	s10 =	sld [smem:$0x3FB5];
	_ =	sdelay $0x3  }
0x36: {  	p1 =	seq.s32 s10, $0x1;
	s10 =	sld [smem:$0x3FB6];
	_ =	sdelay $0x3  }
0x37: {  	[smem:$0x3FB6] =	sst s10  }
0x38: {  	s10 =	sld [smem:$0x3FB7]  }
0x39: {  	_ = 	snop;
	(pc) =	sbr.ind lr, $3  }
0x3a: {  	_ = 	snop  }
0x3b: {  	_ = 	snop  }
0x3c: {  	p2 =	seq.s32 s10, $0x1;
	s10 =	sld [smem:$0x3FB6]  }
0x3d: {  	_ =	shalt  }
0x3e: {  	_ =	shalt  }
0x3f: {  	_ =	shalt  }
0x40: {  	_ =	shalt  }
0x41: {  	_ =	shalt  }
0x42: {  	_ =	shalt  }
0x43: {  	_ =	shalt  }
0x44: {  	_ =	shalt  }
0x45: {  	_ =	shalt  }
0x46: {  	_ =	shalt  }
0x47: {  	_ =	shalt  }
0x48: {  	_ =	shalt  }
0x49: {  	_ =	shalt  }
0x4a: {  	_ =	shalt  }
0x4b: {  	_ =	shalt  }
0x4c: {  	_ =	shalt  }
0x4d: {  	_ =	shalt  }
0x4e: {  	_ =	shalt  }
0x4f: {  	_ =	shalt  }
0x50: {  	_ =	shalt  }
0x51: {  	_ =	shalt  }
0x52: {  	_ =	shalt  }
0x53: {  	_ =	shalt  }
0x54: {  	_ =	shalt  }
0x55: {  	_ =	shalt  }
0x56: {  	_ =	shalt  }
0x57: {  	_ =	shalt  }
0x58: {  	_ =	shalt  }
0x59: {  	_ =	shalt  }
0x5a: {  	_ =	shalt  }
0x5b: {  	_ =	shalt  }
0x5c: {  	_ =	shalt  }
0x5d: {  	_ =	shalt  }
0x5e: {  	_ =	shalt  }
0x5f: {  	_ =	shalt  }
0x60: {  	_ =	shalt  }
0x61: {  	_ =	shalt  }
0x62: {  	_ =	shalt  }
0x63: {  	_ =	shalt  }
0x64: {  	_ =	shalt  }
0x65: {  	_ =	shalt  }
0x66: {  	_ =	shalt  }
0x67: {  	_ =	shalt  }
0x68: {  	_ =	shalt  }
0x69: {  	_ =	shalt  }
0x6a: {  	_ =	shalt  }
0x6b: {  	_ =	shalt  }
0x6c: {  	_ =	shalt  }
0x6d: {  	_ =	shalt  }
0x6e: {  	_ =	shalt  }
0x6f: {  	_ =	shalt  }
0x70: {  	_ =	shalt  }
0x71: {  	_ =	shalt  }
0x72: {  	_ =	shalt  }
0x73: {  	_ =	shalt  }
0x74: {  	_ =	shalt  }
0x75: {  	_ =	shalt  }
0x76: {  	_ =	shalt  }
0x77: {  	_ =	shalt  }
0x78: {  	_ =	shalt  }
0x79: {  	_ =	shalt  }
0x7a: {  	_ =	shalt  }
0x7b: {  	_ =	shalt  }
0x7c: {  	_ =	shalt  }
0x7d: {  	_ =	shalt  }
0x7e: {  	_ =	shalt  }
0x7f: {  	_ =	shalt  }
0x80: {  	_ =	shalt  }
0x81: {  	_ =	shalt  }
0x82: {  	_ =	shalt  }
0x83: {  	_ =	shalt  }
0x84: {  	_ =	shalt  }
0x85: {  	_ =	shalt  }
0x86: {  	_ =	shalt  }
0x87: {  	_ =	shalt  }
.Lfunc_end0:
.L_simem_size_0:
called_computation.1_lowered:
.L_overlay_start_0:
0x88: {  	s2 =	sld [smem:$0x3FD9]  }
0x89: {  	s3 =	sld [smem:$0x3FFE];
	_ =	sdelay $0x1  }
0x8a: {  	s1 =	srdreg.scid  }
0x8b: {  	s0 =	sand.u32 $0x1, s1  }
0x8c: {  	s14 =	sshll.u32 s0, $0xA;
	s2 =	sadd.s32 s3, s2  }
0x8d: {  	s2 =	sadd.s32 s2, s14  }
0x8e: {  	[smem:$0x3FC2] =	sst s2  }
0x8f: {  	_ = 	snop  }
0x90: {  	s2 =	sld [smem:$0x3FD0];
	_ =	sdelay $0x1  }
0x91: {  	s15 =	sld [smem:$0x3FC6]  }
0x92: {  	s5 =	simm.s32 $0xA;
	s6 =	simm.s32 $0x10;
	s4 =	sld [smem:$0x3FC4]  }
0x93: {  	[smem:s6], [sflag:s5] =	dma.local [hbm:s2], $0x1  }
0x94: {  	_ =	swait.eq [sflag:s5], $0x1  }
0x95: {  	s16 =	sld [smem:$0x11]  }
0x96: {  	s17 =	sld [smem:$0x12];
	[sflag:s5] =	ssyncset.done $0x0  }
0x97: {  	s7 =	sld [smem:$0x13];
	[sflag:s5] =	ssyncadd.s32 $0xFFFFFFFF  }
0x98: {  	s18 =	sld [smem:$0x14];
	(tm) =	ssettm $0x1  }
0x99: {  	s8 =	sld [smem:$0x3FFB];
	_ =	sdelay $0x3  }
0x9a: {  	_ =	strace s8  }
0x9b: {  	s8 =	sld [smem:$0x3FFC];
	_ =	sdelay $0x3  }
0x9c: {  	_ =	strace s8  }
0x9d: {  	s8 =	sld [smem:$0x3FFD];
	_ =	sdelay $0x3  }
0x9e: {  	_ =	strace s8  }
0x9f: {  	_ =	strace $0x8FFFFFFF  }
0xa0: {  	s19 =	sld [smem:$0x3FDB];
	_ =	sdelay $0x1  }
0xa1: {  	s9 =	simm.s32 $_scs_section_size  }
0xa2: {  	s10 =	simm.s32 $_size__tile_overlayer_lowered;
	s11 =	simm.s32 $_tile_overlayer_lowered  }
0xa3: {  	s22 =	simm.s32 $0x1BFF;
	s21 =	sshll.u32 s11, $0x1;
	s8 =	sadd.s32 s9, s19  }
0xa4: {  	s12 =	simm.s32 $0x0;
	s20 =	sshll.u32 s10, $0x1;
	s10 =	sadd.s32 s21, s8  }
0xa5: {  	[timem:s12], [sflag:s22] =	dma.local [hbm:s10], s20  }
0xa6: {  	_ =	swait.ge [sflag:s22], s20  }
0xa7: {  	s9 =	ssub.s32 $0x0, s20;
	[sflag:s22] =	ssyncset.done $0x0  }
0xa8: {  	[sflag:s22] =	ssyncadd.s32 s9;
	_ =	sdelay $0x1  }
0xa9: {  	s23 =	simm.s32 $0x1B8B  }
0xaa: {  	_ =	swait.ge [sflag:s23], $0x1  }
0xab: {  	[sflag:s23] =	ssyncset.done $0x0  }
0xac: {  	s25 =	simm.s32 $0x1B8E;
	s24 =	sld [smem:$0x3FFE];
	[sflag:s23] =	ssyncadd.s32 $0xFFFFFFFF  }
0xad: {  	s26 =	simm.s32 $execute0_lowered;
	[smem:$0x3FD2] =	sst s25  }
0xae: {  	s10 =	sshll.u32 s26, $0x1;
	_ =	strace $0x80000049;
	[dreg:$0x1] =	wrdreg $0xFFFFFFFF  }
0xaf: {  	s28 =	simm.s32 $_size_execute0_lowered;
	s8 =	sadd.s32 s8, s10;
	[dreg:$0x0] =	wrdreg $0x0  }
0xb0: {  	s10 =	sshll.u32 s28, $0x1;
	[dreg:$0x2] =	wrdreg s8  }
0xb1: {  	[dreg:$0x3] =	wrdreg s10  }
0xb2: {  	[dreg:$0x4] =	wrdreg $0xC0  }
0xb3: {  	_ =	task [dreg:s12], $0x5FFFF  }
0xb4: {  	[dreg:$0x1] =	wrdreg $0xFFFFFFFF  }
0xb5: {  	[dreg:$0x0] =	wrdreg $0x60  }
0xb6: {  	[dreg:$0x2] =	wrdreg s24  }
0xb7: {  	[dreg:$0x3] =	wrdreg s15  }
0xb8: {  	[dreg:$0x4] =	wrdreg s4  }
0xb9: {  	[dreg:$0x5] =	wrdreg s7  }
0xba: {  	[dreg:$0x6] =	wrdreg s16  }
0xbb: {  	[dreg:$0x7] =	wrdreg s17  }
0xbc: {  	[dreg:$0x8] =	wrdreg s18  }
0xbd: {  	[dreg:$0x9] =	wrdreg $0x9  }
0xbe: {  	_ =	task.clear_ibuf [dreg:s12], $0xAFFFF;
	_ =	strace $0x90000049  }
0xbf: {  	s29 =	simm.s32 $0x9;
	_ =	strace $0x8000004B  }
0xc0: {  	_ =	swait.ge [sflag:s29], $0x1  }
0xc1: {  	[sflag:s29] =	ssyncadd.s32 $0xFFFFFFFF  }
0xc2: {  	_ =	strace $0x9000004B  }
0xc3: {  	_ =	sfence  }
0xc4: {  	s30 =	sld [smem:$0x0];
	_ =	sdelay $0x2  }
0xc5: {  	s31 =	sshll.u32 s1, $0xD;
	s1 =	sshrl.u32 s1, $0x2  }
0xc6: {  	s3 =	sand.u32 $0x4000, s31;
	s1 =	sadd.s32 s1, s30  }
0xc7: {  	s0 =	sor.u32 s3, s0;
	s1 =	sshll.u32 s1, $0x11  }
0xc8: {  	s0 =	sor.u32 s1, s0  }
0xc9: {  	s0 =	sadd.s32 $0x8F2B, s0  }
0xca: {  	[sflag:s0] =	ssyncadd.remote.s32 $0x1  }
0xcb: {  	_ =	sfence.sel $0xFFFF  }
0xcc: {  	[dreg:$0x0] =	wrdreg $0xFFFFFFFF;
	(pc) =	sbr.abs _section_cstart, $3  }
0xcd: {  	[dreg:$0x1] =	wrdreg $0xFFFFFFFF  }
0xce: {  	_ =	task.clear_ibuf [dreg:s12], $0x2FFFF;
	_ =	strace $0x9FFFFFFF  }
0xcf: {  	(tm) =	ssettm $0x7FFFFFFF  }
tec
execute0_lowered:
.L_overlay_start_1:
0x0: {  	(tag) =	ssettag $0x1  }
0x1: {  	s0 =	rddreg [dreg:$0x0]  }
0x2: {  	s3 =	rddreg [dreg:$0x1]  }
0x3: {  	s18 =	rddreg [dreg:$0x2]  }
0x4: {  	s1 =	rddreg [dreg:$0x3]  }
0x5: {  	s21 =	rddreg [dreg:$0x5]  }
0x6: {  	s22 =	rddreg [dreg:$0x6];
	s4 =	simm.s32 $0x0;
	s5 =	srdreg.scid  }
0x7: {  	s2 =	stileid.u32;
	s25 =	simm.s32 $0x1900;
	s26 =	simm.s32 $0x2900  }
0x8: {  	s28 =	simm.s32 $0x3900;
	s31 =	simm.s32 $0x0;
	[smem:$0x7FF] =	sst s4  }
0x9: {  	s8 =	sand.u32 $0x1, s5;
	s29 =	smul.u32 $0xC38, s2;
	s5 =	sadd.s32 $0x3400, s0  }
0xa: {  	s6 =	sadd.s32 $0x3600, s0;
	s7 =	sadd.s32 $0x3800, s0;
	s11 =	sadd.s32 $0x30E9, s0  }
0xb: {  	s13 =	sadd.s32 $0x50E9, s0;
	s14 =	sadd.s32 $0x6AE9, s0;
	s17 =	sadd.s32 $0x16E9, s3  }
0xc: {  	p1 =	seq.s32 s2, $0xF;
	_ =	strace $0x8000004A;
	s9 =	ssub.s32 $0x2, s8  }
0xd: {  	p0 =	seq.s32 s8, $0x1;
	s10 =	sshrl.u32 s9, $0x1;
	s20 =	sshrl.u32 s29, $0x3  }
0xe: {  	s30 =	sadd.s32 $0xC38, s29;
	v0 =	vmov s29;
	s29 =	simm.s32 $0x1;
	s23 =	ssub.s32 s9, s10  }
.Ltmp0:
0xf: {  	s8 =	sadd.s32 s0, s20;
	s10 =	sadd.s32 $0x16E9, s0;
	(pc) =	sbr.rel .LBB2_1-.Ltmp0, $4  }
0x10: {  	s15 =	sadd.s32 s3, s20;
	s16 =	sadd.s32 s18, s20;
	s18 =	sadd.s32 $0x16E9, s18  }
0x11: {  	s19 =	sadd.s32 s21, s20;
	s20 =	sadd.s32 s22, s20;
	s21 =	sadd.s32 $0x16E9, s21  }
0x12: {  	s22 =	sadd.s32 $0x16E9, s22;
	v1 =	vmov s30;
	s30 =	simm.s32 $0xC80;
	s9 =	sadd.s32 $0x1A00, s8  }
0x13: {  	s12 =	sadd.s32 $0x3A00, s8;
	s23 =	smax.u32 s23, $0x1;
	s24 =	sadd.s32 $0x5400, s8  }
.LBB2_7:
0x14: {  	v2 =	vld [tilespmem:s0+$0x1900];
	_ =	sdelay $0x4  }
0x15: {  	vm0 =	vge.s32 v2, v0;
	vm1 =	vlt.s32 v2, v1  }
0x16: {  	v2 =	vsub.s32 v2, v0;
	vm0 =	vmand vm0, vm1  }
0x17: {  	v3 =	vld [tilespmem:s0+$0x2900];
	v2 =	vnsel vm0, $0x0, v2;
	_ =	sdelay $0x4  }
0x18: {  	[tilespmem:v2+s4+$0x0] =	vst.idx.msk vm0, v3  }
0x19: {  	v3 =	vld [tilespmem:s0+$0x3900];
	_ =	sdelay $0x4  }
0x1a: {  	s2 =	simm.s32 @p1 $0x2;
	s0 =	simm.s32 @p1 $0x0;
	[tilespmem:v2+s30+$0x0] =	vst.idx.msk vm0, v3  }
0x1b: {  	[hbm4b:s21+s0] =	stream.linear.scatter @p1 [tilespmem:s0], [sflag:$0x2], $0xC1C, $0x38;
	[tilespmem:$0x4900] =	vst v63  }
0x1c: {  	_ =	swait.ge @p1 [sflag:s2], $0xC1C  }
0x1d: {  	[sflag:s2] =	ssyncset.done @p1 $0x0  }
0x1e: {  	s3 =	simm.s32 @p1 $0xC80;
	[sflag:s2] =	ssyncadd.s32 @p1 $0xFFFFF3E4  }
0x1f: {  	[hbm4b:s22+s0] =	stream.linear.scatter @p1 [tilespmem:s3], [sflag:$0x2], $0xC1C, $0x38;
	[tilespmem:$0x4900] =	vst v63  }
0x20: {  	_ =	swait.ge @p1 [sflag:s2], $0xC1C  }
0x21: {  	[sflag:s2] =	ssyncset.done @p1 $0x0  }
0x22: {  	s0 =	simm.s32 @!p1 $0x0;
	[sflag:s2] =	ssyncadd.s32 @p1 $0xFFFFF3E4;
	s2 =	simm.s32 @!p1 $0x2  }
0x23: {  	[hbm4b:s19+s0] =	stream.linear.scatter @!p1 [tilespmem:s0], [sflag:$0x2], $0xC38, $0x38;
	[tilespmem:$0x4900] =	vst v63  }
0x24: {  	_ =	swait.ge @!p1 [sflag:s2], $0xC38  }
0x25: {  	[sflag:s2] =	ssyncset.done @!p1 $0x0  }
0x26: {  	s3 =	simm.s32 @!p1 $0xC80;
	[sflag:s2] =	ssyncadd.s32 @!p1 $0xFFFFF3C8  }
0x27: {  	[hbm4b:s20+s0] =	stream.linear.scatter @!p1 [tilespmem:s3], [sflag:$0x2], $0xC38, $0x38;
	[tilespmem:$0x4900] =	vst v63  }
0x28: {  	_ =	swait.ge @!p1 [sflag:s2], $0xC38  }
0x29: {  	[sflag:s2] =	ssyncset.done @!p1 $0x0  }
0x2a: {  	[sflag:s2] =	ssyncadd.s32 @!p1 $0xFFFFF3C8  }
.LBB2_8:
0x2b: {  	s31 =	sadd.s32 $0x1, s31  }
0x2c: {  	p2 =	sne.s32 s31, s23  }
.Ltmp1:
0x2d: {  	_ = 	snop;
	(pc) =	sbr.rel @!p2 .LBB2_9-.Ltmp1, $1  }
0x2e: {  	_ =	sdelay $0x3  }
.LBB2_1:
.Ltmp2:
0x2f: {  	(pc) =	sbr.rel @!p0 .LBB2_2-.Ltmp2, $2  }
0x30: {  	_ =	sdelay $0x2  }
0x31: {  	[tilespmem:s25], [sflag:$0x1] =	stream.linear.gather [hbm4b:s1+s4], $0x1000, $0x38;
	[tilespmem:$0x4900] =	vst v63  }
0x32: {  	[tilespmem:s26], [sflag:$0x1] =	stream.linear.gather [hbm4b:s6+s4], $0x1000, $0x38;
	[tilespmem:$0x4900] =	vst v63  }
0x33: {  	_ = 	snop  }
0x34: {  	[tilespmem:s28], [sflag:$0x1] =	stream.linear.gather [hbm4b:s7+s4], $0x1000, $0x38;
	[tilespmem:$0x4900] =	vst v63  }
0x35: {  	s0 =	simm.s32 @p1 $0x0;
	s2 =	simm.s32 @p1 $0x2  }
0x36: {  	[tilespmem:s0], [sflag:$0x2] =	stream.linear.gather @p1 [hbm4b:s17+s0], $0xC1C, $0x38;
	[tilespmem:$0x4900] =	vst v63  }
0x37: {  	_ =	swait.ge @p1 [sflag:s2], $0xC1C  }
0x38: {  	[sflag:s2] =	ssyncset.done @p1 $0x0  }
0x39: {  	s3 =	simm.s32 @p1 $0xC80;
	[sflag:s2] =	ssyncadd.s32 @p1 $0xFFFFF3E4  }
0x3a: {  	[tilespmem:s3], [sflag:$0x2] =	stream.linear.gather @p1 [hbm4b:s18+s0], $0xC1C, $0x38;
	[tilespmem:$0x4900] =	vst v63  }
0x3b: {  	_ =	swait.ge @p1 [sflag:s2], $0xC1C  }
0x3c: {  	[sflag:s2] =	ssyncset.done @p1 $0x0  }
0x3d: {  	s0 =	simm.s32 @!p1 $0x0;
	[sflag:s2] =	ssyncadd.s32 @p1 $0xFFFFF3E4;
	s2 =	simm.s32 @!p1 $0x2  }
0x3e: {  	[tilespmem:s0], [sflag:$0x2] =	stream.linear.gather @!p1 [hbm4b:s15+s0], $0xC38, $0x38;
	[tilespmem:$0x4900] =	vst v63  }
0x3f: {  	_ =	swait.ge @!p1 [sflag:s2], $0xC38  }
0x40: {  	[sflag:s2] =	ssyncset.done @!p1 $0x0  }
0x41: {  	s3 =	simm.s32 @!p1 $0xC80;
	[sflag:s2] =	ssyncadd.s32 @!p1 $0xFFFFF3C8  }
0x42: {  	[tilespmem:s3], [sflag:$0x2] =	stream.linear.gather @!p1 [hbm4b:s16+s0], $0xC38, $0x38;
	[tilespmem:$0x4900] =	vst v63  }
0x43: {  	_ =	swait.ge @!p1 [sflag:s2], $0xC38  }
0x44: {  	[sflag:s2] =	ssyncset.done @!p1 $0x0  }
0x45: {  	[sflag:s2] =	ssyncadd.s32 @!p1 $0xFFFFF3C8  }
0x46: {  	_ =	swait.ge [sflag:s29], $0x1000  }
0x47: {  	[sflag:s29] =	ssyncset.done $0x0  }
0x48: {  	[sflag:s29] =	ssyncadd.s32 $0xFFFFF000  }
0x49: {  	_ =	swait.ge [sflag:s29], $0x1000  }
0x4a: {  	[sflag:s29] =	ssyncset.done $0x0  }
0x4b: {  	[sflag:s29] =	ssyncadd.s32 $0xFFFFF000  }
0x4c: {  	_ =	swait.ge [sflag:s29], $0x1000  }
0x4d: {  	[sflag:s29] =	ssyncset.done $0x0  }
0x4e: {  	s0 =	simm.s32 $0x0;
	s3 =	simm.s32 $0x40;
	[sflag:s29] =	ssyncadd.s32 $0xFFFFF000  }
.LBB2_6:
0x4f: {  	p2 =	sne.s32 s3, $0x3FC0;
	v2 =	vld [tilespmem:s0+$0x1900]  }
0x50: {  	v3 =	vld [tilespmem:s0+$0x2900];
	_ =	sdelay $0x3  }
0x51: {  	vm0 =	vge.s32 v2, v0;
	vm1 =	vlt.s32 v2, v1  }
0x52: {  	v2 =	vsub.s32 v2, v0;
	vm0 =	vmand vm0, vm1  }
0x53: {  	v2 =	vnsel vm0, $0x0, v2;
	_ =	sdelay $0x4  }
0x54: {  	[tilespmem:v2+s4+$0x0] =	vst.idx.msk vm0, v3  }
0x55: {  	v3 =	vld [tilespmem:s0+$0x3900]  }
.Ltmp3:
0x56: {  	(pc) =	sbr.rel @p2 .LBB2_6-.Ltmp3, $2  }
0x57: {  	_ =	sdelay $0x2  }
0x58: {  	s0 =	sshra.s32 s3, $0x2;
	s3 =	sadd.s32 $0x40, s3;
	[tilespmem:v2+s30+$0x0] =	vst.idx.msk vm0, v3  }
.Ltmp4:
0x59: {  	_ = 	snop;
	(pc) =	sbr.rel .LBB2_7-.Ltmp4, $1  }
0x5a: {  	_ =	sdelay $0x3  }
.LBB2_2:
0x5b: {  	s0 =	rddreg [dreg:$0x4]  }
0x5c: {  	[tilespmem:s26], [sflag:$0x1] =	stream.linear.gather [hbm4b:s0+s4], $0x1000, $0x38;
	[tilespmem:$0x4900] =	vst v63  }
0x5d: {  	_ = 	snop  }
0x5e: {  	[tilespmem:s28], [sflag:$0x1] =	stream.linear.gather [hbm4b:s5+s4], $0x1000, $0x38;
	[tilespmem:$0x4900] =	vst v63  }
0x5f: {  	s3 =	simm.s32 @p1 $0x2;
	s0 =	simm.s32 @p1 $0x0  }
0x60: {  	[tilespmem:s0], [sflag:$0x2] =	stream.linear.gather @p1 [hbm4b:s10+s0], $0xC1C, $0x38;
	[tilespmem:$0x4900] =	vst v63  }
0x61: {  	_ =	swait.ge @p1 [sflag:s3], $0xC1C  }
0x62: {  	[sflag:s3] =	ssyncset.done @p1 $0x0  }
0x63: {  	s2 =	simm.s32 @p1 $0xC80;
	[sflag:s3] =	ssyncadd.s32 @p1 $0xFFFFF3E4  }
0x64: {  	[tilespmem:s2], [sflag:$0x2] =	stream.linear.gather @p1 [hbm4b:s11+s0], $0xC1C, $0x38;
	[tilespmem:$0x4900] =	vst v63  }
0x65: {  	_ =	swait.ge @p1 [sflag:s3], $0xC1C  }
0x66: {  	[sflag:s3] =	ssyncset.done @p1 $0x0  }
0x67: {  	s0 =	simm.s32 @!p1 $0x0;
	s2 =	simm.s32 @!p1 $0x2;
	[sflag:s3] =	ssyncadd.s32 @p1 $0xFFFFF3E4  }
0x68: {  	[tilespmem:s0], [sflag:$0x2] =	stream.linear.gather @!p1 [hbm4b:s8+s0], $0xC38, $0x38;
	[tilespmem:$0x4900] =	vst v63  }
0x69: {  	_ =	swait.ge @!p1 [sflag:s2], $0xC38  }
0x6a: {  	[sflag:s2] =	ssyncset.done @!p1 $0x0  }
0x6b: {  	s3 =	simm.s32 @!p1 $0xC80;
	[sflag:s2] =	ssyncadd.s32 @!p1 $0xFFFFF3C8  }
0x6c: {  	[tilespmem:s3], [sflag:$0x2] =	stream.linear.gather @!p1 [hbm4b:s9+s0], $0xC38, $0x38;
	[tilespmem:$0x4900] =	vst v63  }
0x6d: {  	_ =	swait.ge @!p1 [sflag:s2], $0xC38  }
0x6e: {  	[sflag:s2] =	ssyncset.done @!p1 $0x0  }
0x6f: {  	[sflag:s2] =	ssyncadd.s32 @!p1 $0xFFFFF3C8  }
0x70: {  	_ =	swait.ge [sflag:s29], $0x1000  }
0x71: {  	[sflag:s29] =	ssyncset.done $0x0  }
0x72: {  	[sflag:s29] =	ssyncadd.s32 $0xFFFFF000  }
0x73: {  	_ =	swait.ge [sflag:s29], $0x1000  }
0x74: {  	[sflag:s29] =	ssyncset.done $0x0  }
0x75: {  	[sflag:s29] =	ssyncadd.s32 $0xFFFFF000  }
0x76: {  	_ =	swait.ge [sflag:s29], $0x1000  }
0x77: {  	[sflag:s29] =	ssyncset.done $0x0  }
0x78: {  	s0 =	simm.s32 $0x0;
	s3 =	simm.s32 $0x40;
	[sflag:s29] =	ssyncadd.s32 $0xFFFFF000  }
.LBB2_3:
0x79: {  	p2 =	sne.s32 s3, $0x3FC0;
	v2 =	vld [tilespmem:s0+$0x1900]  }
0x7a: {  	v3 =	vld [tilespmem:s0+$0x2900];
	_ =	sdelay $0x3  }
0x7b: {  	vm0 =	vge.s32 v2, v0;
	vm1 =	vlt.s32 v2, v1  }
0x7c: {  	v2 =	vsub.s32 v2, v0;
	vm0 =	vmand vm0, vm1  }
0x7d: {  	v2 =	vnsel vm0, $0x0, v2;
	_ =	sdelay $0x4  }
0x7e: {  	[tilespmem:v2+s4+$0x0] =	vst.idx.msk vm0, v3  }
0x7f: {  	v3 =	vld [tilespmem:s0+$0x3900]  }
.Ltmp5:
0x80: {  	(pc) =	sbr.rel @p2 .LBB2_3-.Ltmp5, $2  }
0x81: {  	_ =	sdelay $0x2  }
0x82: {  	s0 =	sshra.s32 s3, $0x2;
	s3 =	sadd.s32 $0x40, s3;
	[tilespmem:v2+s30+$0x0] =	vst.idx.msk vm0, v3  }
0x83: {  	v2 =	vld [tilespmem:s0+$0x1900];
	_ =	sdelay $0x4  }
0x84: {  	vm0 =	vge.s32 v2, v0;
	vm1 =	vlt.s32 v2, v1  }
0x85: {  	v2 =	vsub.s32 v2, v0;
	vm0 =	vmand vm0, vm1  }
0x86: {  	v3 =	vld [tilespmem:s0+$0x2900];
	v2 =	vnsel vm0, $0x0, v2;
	_ =	sdelay $0x4  }
0x87: {  	[tilespmem:v2+s4+$0x0] =	vst.idx.msk vm0, v3  }
0x88: {  	v3 =	vld [tilespmem:s0+$0x3900];
	_ =	sdelay $0x4  }
0x89: {  	s2 =	simm.s32 @p1 $0x2;
	s0 =	simm.s32 @p1 $0x0;
	[tilespmem:v2+s30+$0x0] =	vst.idx.msk vm0, v3  }
0x8a: {  	[hbm4b:s13+s0] =	stream.linear.scatter @p1 [tilespmem:s0], [sflag:$0x2], $0xC1C, $0x38;
	[tilespmem:$0x4900] =	vst v63  }
0x8b: {  	_ =	swait.ge @p1 [sflag:s2], $0xC1C  }
0x8c: {  	[sflag:s2] =	ssyncset.done @p1 $0x0  }
0x8d: {  	s3 =	simm.s32 @p1 $0xC80;
	[sflag:s2] =	ssyncadd.s32 @p1 $0xFFFFF3E4  }
0x8e: {  	[hbm4b:s14+s0] =	stream.linear.scatter @p1 [tilespmem:s3], [sflag:$0x2], $0xC1C, $0x38;
	[tilespmem:$0x4900] =	vst v63  }
0x8f: {  	_ =	swait.ge @p1 [sflag:s2], $0xC1C  }
0x90: {  	[sflag:s2] =	ssyncset.done @p1 $0x0  }
0x91: {  	s0 =	simm.s32 @!p1 $0x0;
	[sflag:s2] =	ssyncadd.s32 @p1 $0xFFFFF3E4;
	s2 =	simm.s32 @!p1 $0x2  }
0x92: {  	[hbm4b:s12+s0] =	stream.linear.scatter @!p1 [tilespmem:s0], [sflag:$0x2], $0xC38, $0x38;
	[tilespmem:$0x4900] =	vst v63  }
0x93: {  	_ =	swait.ge @!p1 [sflag:s2], $0xC38  }
0x94: {  	[sflag:s2] =	ssyncset.done @!p1 $0x0  }
.Ltmp6:
0x95: {  	s3 =	simm.s32 @!p1 $0xC80;
	[sflag:s2] =	ssyncadd.s32 @!p1 $0xFFFFF3C8;
	(pc) =	sbr.rel .LBB2_8-.Ltmp6, $4  }
0x96: {  	[hbm4b:s24+s0] =	stream.linear.scatter @!p1 [tilespmem:s3], [sflag:$0x2], $0xC38, $0x38;
	[tilespmem:$0x4900] =	vst v63  }
0x97: {  	_ =	swait.ge @!p1 [sflag:s2], $0xC38  }
0x98: {  	[sflag:s2] =	ssyncset.done @!p1 $0x0  }
0x99: {  	[sflag:s2] =	ssyncadd.s32 @!p1 $0xFFFFF3C8  }
.LBB2_9:
0x9a: {  	_ =	sfence.sel $0x180000  }
0x9b: {  	[bflag:$0x0] =	sbarrier.arrive $0xFFFF  }
0x9c: {  	_ =	strace $0x9000004A  }
0x9d: {  	s0 =	stileid.u32;
	[bflag:$0x2] =	sbarrier.arrive $0xFFFF  }
0x9e: {  	p0 =	sne.s32 s0, $0x0;
	s0 =	rddreg [dreg:$0x7]  }
0x9f: {  	s0 =	sadd.s32 @!p0 $0x100000, s0  }
0xa0: {  	[sflag:s0] =	ssyncadd.tile.s32 @!p0 $0x1;
	_ =	shalt  }
.Lfunc_end2:
_tile_overlayer_lowered:
.L_overlay_start_2:
0xa1: {  	(tag) =	ssettag $0x2  }
0xa2: {  	s0 =	rddreg [dreg:$0x0];
	s2 =	stileid.u32  }
0xa3: {  	s1 =	rddreg [dreg:$0x1];
	p0 =	sne.s32 s2, $0x0  }
0xa4: {  	s3 =	rddreg [dreg:$0x2];
	[bflag:$0x3] =	sbarrier.arrive $0xFFFF;
	s2 =	simm.s32 @!p0 $0x1C02  }
0xa5: {  	[timem:s3], [sflag:s2] =	dma.local @!p0 [hbm:s0], s1  }
0xa6: {  	s0 =	simm.s32 @!p0 $0x2  }
0xa7: {  	_ =	swait.ge @!p0 [sflag:s0], s1  }
0xa8: {  	s1 =	ssub.s32 @!p0 $0x0, s1;
	[sflag:s0] =	ssyncset.done @!p0 $0x0  }
0xa9: {  	[sflag:s0] =	ssyncadd.s32 @!p0 s1  }
0xaa: {  	[bflag:$0x3] =	sbarrier.arrive $0xFFFF  }
0xab: {  	_ =	shalt  }

</sc_bundles>
